<compile_context>
chip_gen: v7x
topology: tpu7x:2x2x1
jax: 0.10.2.dev20260603
libtpu: 0.0.44.dev20260713+nightly
codegen_flags: <defaults>
</compile_context>

<pallas_src>
import functools

import jax
import jax.numpy as jnp
from jax import lax
from jax.experimental import pallas as pl
from jax.experimental.pallas import tpu as pltpu
from jax.experimental.pallas import tpu_sc as plsc

BATCH = 16384
DIM = 128
KOUT = 5
NPAD = 16
NWORKERS = 32
BPW = BATCH // NWORKERS
LANES = 16


def _combo_body(l1_ref, attr_ref, w_ref, b_ref, out_ref):
    l1 = jnp.concatenate(
        [l1_ref[:], jnp.zeros((32 - l1_ref.shape[0], DIM), jnp.float32)], axis=0)
    w = jnp.concatenate(
        [w_ref[:], jnp.zeros((NPAD - KOUT, DIM), jnp.float32)], axis=0)
    bias = jnp.concatenate(
        [b_ref[:], jnp.zeros((1, NPAD - KOUT), jnp.float32)], axis=1)
    for a in range(2):
        x = jnp.maximum(l1 + attr_ref[a:a + 1, :], 0.0)
        y = lax.dot_general(x, w, (((1,), (1,)), ((), ())),
                            preferred_element_type=jnp.float32) + bias
        for s in range(4):
            row = jnp.concatenate(
                [y[8 * s + q:8 * s + q + 1, :] for q in range(8)], axis=1)
            out_ref[a * 4 + s:a * 4 + s + 1, :] = row


_combo_call = pl.pallas_call(
    _combo_body,
    out_shape=jax.ShapeDtypeStruct((8, 128), jnp.float32),
)


@functools.partial(
    pl.kernel,
    mesh=plsc.VectorSubcoreMesh(core_axis_name="c", subcore_axis_name="s"),
    compiler_params=pltpu.CompilerParams(needs_layout_passes=False),
    out_type=jax.ShapeDtypeStruct((BATCH, KOUT), jnp.float32),
    scratch_types=[
        pltpu.VMEM((8, 128), jnp.float32),
        pltpu.VMEM((BPW,), jnp.int32),
        pltpu.VMEM((BPW,), jnp.int32),
        pltpu.VMEM((BPW, KOUT), jnp.float32),
        pltpu.SemaphoreType.DMA,
    ],
)
def _sc_gather(pair_hbm, attr_hbm, combo_hbm, out_hbm,
               combo_v, pair_v, attr_v, out_v, sem):
    wid = lax.axis_index("s") * 2 + lax.axis_index("c")
    base = wid * BPW
    d0 = pltpu.async_copy(combo_hbm, combo_v, sem)
    d1 = pltpu.async_copy(pair_hbm.at[pl.ds(base, BPW)], pair_v, sem)
    d2 = pltpu.async_copy(attr_hbm.at[pl.ds(base, BPW)], attr_v, sem)
    d0.wait()
    d1.wait()
    d2.wait()

    def _chunk(k):
        kl = k * LANES
        p = pair_v[pl.ds(kl, LANES)]
        a = attr_v[pl.ds(kl, LANES)]
        c = a * 32 + p
        row = lax.shift_right_logical(c, 3)
        colb = lax.shift_left(c & 7, 4)
        i = lax.iota(jnp.int32, LANES) + kl
        for j in range(KOUT):
            v = plsc.load_gather(combo_v, [row, colb + j])
            plsc.store_scatter(out_v, [i, jnp.full((LANES,), j, jnp.int32)], v)

    half = BPW // 2
    plsc.parallel_loop(0, BPW // LANES // 2, 1, unroll=8)(_chunk)
    da = pltpu.async_copy(out_v.at[pl.ds(0, half), :],
                          out_hbm.at[pl.ds(base, half), :], sem)
    plsc.parallel_loop(BPW // LANES // 2, BPW // LANES, 1, unroll=8)(_chunk)
    db = pltpu.async_copy(out_v.at[pl.ds(half, half), :],
                          out_hbm.at[pl.ds(base + half, half), :], sem)
    da.wait()
    db.wait()


def kernel(pair_int, attribute_index, l1_table, attr_table, W, b):
    pair_i = pair_int.astype(jnp.int32)
    attr_i = attribute_index.astype(jnp.int32)
    combo = _combo_call(l1_table, attr_table, W, b.reshape(1, KOUT))
    return _sc_gather(pair_i, attr_i, combo)

# --- scband reference (transcript-rebuilt; emitter-appended) ---
"""Pipeline reference for scband-model-51505247814084 (READ-ONLY COPY).

The authoritative reference and input builder live on the scoring server;
editing this copy changes nothing except your own understanding.
"""

import jax, jax.numpy as jnp
import numpy as np

K = 5
DIM = 128
BATCH = 16384

def setup_inputs(seed: int = 0) -> dict:
    key = jax.random.key(seed)
    k1, k2, k3, k4, k5, k6 = jax.random.split(key, 6)
    pair_int = jax.random.randint(k1, (BATCH,), 0, K * K, dtype=jnp.int64 if jax.config.jax_enable_x64 else jnp.int32)
    attribute_index = jax.random.randint(k2, (BATCH,), 0, 2, dtype=jnp.int64 if jax.config.jax_enable_x64 else jnp.int32)
    l1_table = jax.random.normal(k3, (K * K, DIM), dtype=jnp.float32)
    attr_table = jax.random.normal(k4, (2, DIM), dtype=jnp.float32)
    W = jax.random.normal(k5, (K, DIM), dtype=jnp.float32) * (1.0 / np.sqrt(DIM))
    b = jax.random.normal(k6, (K,), dtype=jnp.float32) * 0.01
    return {"pair_int": pair_int, "attribute_index": attribute_index,
            "l1_table": l1_table, "attr_table": attr_table, "W": W, "b": b}

def reference(pair_int, attribute_index, l1_table, attr_table, W, b):
    # x = Embedding(pair_int) + Embedding(attribute_index)
    x = jnp.take(l1_table, pair_int, axis=0) + jnp.take(attr_table, attribute_index, axis=0)
    x = jax.nn.relu(x)
    # nn.Linear: x @ W.T + b, W shape [out=k, in=dim]
    out = x @ W.T + b
    return out

if __name__ == "__main__":
    import jax
    _d = setup_inputs()
    print(jax.jit(kernel)(*tuple(_d.values())))

</pallas_src>

<mosaic_0001>
#map = affine_map<(d0, d1) -> (0)>
#map1 = affine_map<(d0, d1) -> (0, 0)>
module attributes {stable_mosaic.version = 14 : i64} {
  func.func @_sc_gather(%arg0: i32, %arg1: i32, %arg2: memref<16384xi32, #tpu.memory_space<hbm>>, %arg3: memref<16384xi32, #tpu.memory_space<hbm>>, %arg4: memref<8x128xf32, #tpu.memory_space<hbm>>, %arg5: memref<16384x5xf32, #tpu.memory_space<hbm>>, %arg6: memref<8x128xf32, #tpu.memory_space<vmem>>, %arg7: memref<512xi32, #tpu.memory_space<vmem>>, %arg8: memref<512xi32, #tpu.memory_space<vmem>>, %arg9: memref<512x5xf32, #tpu.memory_space<vmem>>, %arg10: memref<!tpu.dma_semaphore, #tpu.memory_space<semaphore_mem>>) attributes {dimension_semantics = [#tpu.dimension_semantics<core_parallel>, #tpu.dimension_semantics<subcore_parallel>], iteration_bounds = array<i64: 2, 16>, scalar_prefetch = 0 : i64, scratch_operands = 5 : i64, tpu.core_type = #tpu.core_type<sc_vector_subcore>, window_params = [{transform_indices = #map}, {transform_indices = #map}, {transform_indices = #map1}, {transform_indices = #map1}]} {
    %mul3A = arith.constant 2 : i32
    %mul3A_0 = arith.muli %arg1, %mul3A : i32
    %add3A = arith.addi %mul3A_0, %arg0 : i32
    %mul3A_1 = arith.constant 512 : i32
    %mul3A_2 = arith.muli %add3A, %mul3A_1 : i32
    tpu.enqueue_dma source(%arg4 : memref<8x128xf32, #tpu.memory_space<hbm>>) target(%arg6 : memref<8x128xf32, #tpu.memory_space<vmem>>) target_semaphore(%arg10 : memref<!tpu.dma_semaphore, #tpu.memory_space<semaphore_mem>>)
    %dma_start3A = tpu.memref_slice %arg2[%mul3A_2] : memref<16384xi32, #tpu.memory_space<hbm>> -> memref<512xi32, #tpu.memory_space<hbm>>
    %dma_start3A_3 = tpu.memref_slice %arg2[%mul3A_2] : memref<16384xi32, #tpu.memory_space<hbm>> -> memref<512xi32, #tpu.memory_space<hbm>>
    tpu.enqueue_dma source(%dma_start3A_3 : memref<512xi32, #tpu.memory_space<hbm>>) target(%arg7 : memref<512xi32, #tpu.memory_space<vmem>>) target_semaphore(%arg10 : memref<!tpu.dma_semaphore, #tpu.memory_space<semaphore_mem>>)
    %dma_start3A_4 = tpu.memref_slice %arg3[%mul3A_2] : memref<16384xi32, #tpu.memory_space<hbm>> -> memref<512xi32, #tpu.memory_space<hbm>>
    %dma_start3A_5 = tpu.memref_slice %arg3[%mul3A_2] : memref<16384xi32, #tpu.memory_space<hbm>> -> memref<512xi32, #tpu.memory_space<hbm>>
    tpu.enqueue_dma source(%dma_start3A_5 : memref<512xi32, #tpu.memory_space<hbm>>) target(%arg8 : memref<512xi32, #tpu.memory_space<vmem>>) target_semaphore(%arg10 : memref<!tpu.dma_semaphore, #tpu.memory_space<semaphore_mem>>)
    tpu.wait_dma2 semaphore(%arg10 : memref<!tpu.dma_semaphore, #tpu.memory_space<semaphore_mem>>) src(%arg4 : memref<8x128xf32, #tpu.memory_space<hbm>>) dst(%arg6 : memref<8x128xf32, #tpu.memory_space<vmem>>)
    %dma_wait3A = tpu.memref_slice %arg2[%mul3A_2] : memref<16384xi32, #tpu.memory_space<hbm>> -> memref<512xi32, #tpu.memory_space<hbm>>
    %dma_wait3A_6 = tpu.memref_slice %arg2[%mul3A_2] : memref<16384xi32, #tpu.memory_space<hbm>> -> memref<512xi32, #tpu.memory_space<hbm>>
    tpu.wait_dma2 semaphore(%arg10 : memref<!tpu.dma_semaphore, #tpu.memory_space<semaphore_mem>>) src(%dma_wait3A_6 : memref<512xi32, #tpu.memory_space<hbm>>) dst(%arg7 : memref<512xi32, #tpu.memory_space<vmem>>)
    %dma_wait3A_7 = tpu.memref_slice %arg3[%mul3A_2] : memref<16384xi32, #tpu.memory_space<hbm>> -> memref<512xi32, #tpu.memory_space<hbm>>
    %dma_wait3A_8 = tpu.memref_slice %arg3[%mul3A_2] : memref<16384xi32, #tpu.memory_space<hbm>> -> memref<512xi32, #tpu.memory_space<hbm>>
    tpu.wait_dma2 semaphore(%arg10 : memref<!tpu.dma_semaphore, #tpu.memory_space<semaphore_mem>>) src(%dma_wait3A_8 : memref<512xi32, #tpu.memory_space<hbm>>) dst(%arg8 : memref<512xi32, #tpu.memory_space<vmem>>)
    %parallel_loop3A = arith.constant 0 : i32
    %parallel_loop3A_9 = arith.constant 16 : i32
    %parallel_loop3A_10 = arith.constant 1 : i32
    scf.for %parallel_loop3A_56 = %parallel_loop3A to %parallel_loop3A_9 step %parallel_loop3A_10  : i32 {
      %parallel_loop3A_57 = arith.constant 16 : i32
      %parallel_loop3A_58 = arith.muli %parallel_loop3A_56, %parallel_loop3A_57 : i32
      %parallel_loop3A_59 = arith.index_cast %parallel_loop3A_58 : i32 to index
      %parallel_loop3A_60 = tpu.vector_load %arg7[%parallel_loop3A_59] {strides = array<i32>} : memref<512xi32, #tpu.memory_space<vmem>>, vector<16xi32>,
      %parallel_loop3A_61 = arith.index_cast %parallel_loop3A_58 : i32 to index
      %parallel_loop3A_62 = tpu.vector_load %arg8[%parallel_loop3A_61] {strides = array<i32>} : memref<512xi32, #tpu.memory_space<vmem>>, vector<16xi32>,
      %parallel_loop3A_63 = arith.constant 32 : i32
      %parallel_loop3A_64 = vector.broadcast %parallel_loop3A_63 : i32 to vector<16xi32>
      %parallel_loop3A_65 = arith.muli %parallel_loop3A_62, %parallel_loop3A_64 : vector<16xi32>
      %parallel_loop3A_66 = arith.addi %parallel_loop3A_65, %parallel_loop3A_60 : vector<16xi32>
      %parallel_loop3A_67 = arith.constant 3 : i32
      %parallel_loop3A_68 = vector.broadcast %parallel_loop3A_67 : i32 to vector<16xi32>
      %parallel_loop3A_69 = arith.shrui %parallel_loop3A_66, %parallel_loop3A_68 : vector<16xi32>
      %parallel_loop3A_70 = arith.constant 7 : i32
      %parallel_loop3A_71 = vector.broadcast %parallel_loop3A_70 : i32 to vector<16xi32>
      %parallel_loop3A_72 = arith.andi %parallel_loop3A_66, %parallel_loop3A_71 : vector<16xi32>
      %parallel_loop3A_73 = arith.constant 4 : i32
      %parallel_loop3A_74 = vector.broadcast %parallel_loop3A_73 : i32 to vector<16xi32>
      %parallel_loop3A_75 = arith.shli %parallel_loop3A_72, %parallel_loop3A_74 : vector<16xi32>
      %parallel_loop3A_76 = tpu.iota {dimensions = array<i32: 0>} : vector<16xi32>
      %parallel_loop3A_77 = vector.broadcast %parallel_loop3A_58 : i32 to vector<16xi32>
      %parallel_loop3A_78 = arith.addi %parallel_loop3A_76, %parallel_loop3A_77 : vector<16xi32>
      %parallel_loop3A_79 = arith.constant 0 : i32
      %parallel_loop3A_80 = vector.broadcast %parallel_loop3A_79 : i32 to vector<16xi32>
      %parallel_loop3A_81 = arith.addi %parallel_loop3A_75, %parallel_loop3A_80 : vector<16xi32>
      %parallel_loop3A_82 = tpu.vector_load_idx %arg6[%parallel_loop3A_69, %parallel_loop3A_81] : memref<8x128xf32, #tpu.memory_space<vmem>>[vector<16xi32>, vector<16xi32>], vector<16xf32>,
      %parallel_loop3A_83 = arith.constant 0 : i32
      %parallel_loop3A_84 = vector.broadcast %parallel_loop3A_83 : i32 to vector<16xi32>
      tpu.vector_store_idx %arg9[%parallel_loop3A_78, %parallel_loop3A_84], %parallel_loop3A_82 : memref<512x5xf32, #tpu.memory_space<vmem>>[vector<16xi32>, vector<16xi32>], vector<16xf32>,
      %parallel_loop3A_85 = arith.constant 1 : i32
      %parallel_loop3A_86 = vector.broadcast %parallel_loop3A_85 : i32 to vector<16xi32>
      %parallel_loop3A_87 = arith.addi %parallel_loop3A_75, %parallel_loop3A_86 : vector<16xi32>
      %parallel_loop3A_88 = tpu.vector_load_idx %arg6[%parallel_loop3A_69, %parallel_loop3A_87] : memref<8x128xf32, #tpu.memory_space<vmem>>[vector<16xi32>, vector<16xi32>], vector<16xf32>,
      %parallel_loop3A_89 = arith.constant 1 : i32
      %parallel_loop3A_90 = vector.broadcast %parallel_loop3A_89 : i32 to vector<16xi32>
      tpu.vector_store_idx %arg9[%parallel_loop3A_78, %parallel_loop3A_90], %parallel_loop3A_88 : memref<512x5xf32, #tpu.memory_space<vmem>>[vector<16xi32>, vector<16xi32>], vector<16xf32>,
      %parallel_loop3A_91 = arith.constant 2 : i32
      %parallel_loop3A_92 = vector.broadcast %parallel_loop3A_91 : i32 to vector<16xi32>
      %parallel_loop3A_93 = arith.addi %parallel_loop3A_75, %parallel_loop3A_92 : vector<16xi32>
      %parallel_loop3A_94 = tpu.vector_load_idx %arg6[%parallel_loop3A_69, %parallel_loop3A_93] : memref<8x128xf32, #tpu.memory_space<vmem>>[vector<16xi32>, vector<16xi32>], vector<16xf32>,
      %parallel_loop3A_95 = arith.constant 2 : i32
      %parallel_loop3A_96 = vector.broadcast %parallel_loop3A_95 : i32 to vector<16xi32>
      tpu.vector_store_idx %arg9[%parallel_loop3A_78, %parallel_loop3A_96], %parallel_loop3A_94 : memref<512x5xf32, #tpu.memory_space<vmem>>[vector<16xi32>, vector<16xi32>], vector<16xf32>,
      %parallel_loop3A_97 = arith.constant 3 : i32
      %parallel_loop3A_98 = vector.broadcast %parallel_loop3A_97 : i32 to vector<16xi32>
      %parallel_loop3A_99 = arith.addi %parallel_loop3A_75, %parallel_loop3A_98 : vector<16xi32>
      %parallel_loop3A_100 = tpu.vector_load_idx %arg6[%parallel_loop3A_69, %parallel_loop3A_99] : memref<8x128xf32, #tpu.memory_space<vmem>>[vector<16xi32>, vector<16xi32>], vector<16xf32>,
      %parallel_loop3A_101 = arith.constant 3 : i32
      %parallel_loop3A_102 = vector.broadcast %parallel_loop3A_101 : i32 to vector<16xi32>
      tpu.vector_store_idx %arg9[%parallel_loop3A_78, %parallel_loop3A_102], %parallel_loop3A_100 : memref<512x5xf32, #tpu.memory_space<vmem>>[vector<16xi32>, vector<16xi32>], vector<16xf32>,
      %parallel_loop3A_103 = arith.constant 4 : i32
      %parallel_loop3A_104 = vector.broadcast %parallel_loop3A_103 : i32 to vector<16xi32>
      %parallel_loop3A_105 = arith.addi %parallel_loop3A_75, %parallel_loop3A_104 : vector<16xi32>
      %parallel_loop3A_106 = tpu.vector_load_idx %arg6[%parallel_loop3A_69, %parallel_loop3A_105] : memref<8x128xf32, #tpu.memory_space<vmem>>[vector<16xi32>, vector<16xi32>], vector<16xf32>,
      %parallel_loop3A_107 = arith.constant 4 : i32
      %parallel_loop3A_108 = vector.broadcast %parallel_loop3A_107 : i32 to vector<16xi32>
      tpu.vector_store_idx %arg9[%parallel_loop3A_78, %parallel_loop3A_108], %parallel_loop3A_106 : memref<512x5xf32, #tpu.memory_space<vmem>>[vector<16xi32>, vector<16xi32>], vector<16xf32>,
    } {sc.loop_unroll_factor = 8 : i64, sc.parallel_access}
    %dma_start3A_11 = arith.constant 0 : i32
    %dma_start3A_12 = arith.constant 0 : i32
    %dma_start3A_13 = tpu.memref_slice %arg9[%dma_start3A_11, %dma_start3A_12] : memref<512x5xf32, #tpu.memory_space<vmem>> -> memref<256x5xf32, #tpu.memory_space<vmem>>
    %dma_start3A_14 = arith.constant 0 : i32
    %dma_start3A_15 = tpu.memref_slice %arg5[%mul3A_2, %dma_start3A_14] : memref<16384x5xf32, #tpu.memory_space<hbm>> -> memref<256x5xf32, #tpu.memory_space<hbm>>
    %dma_start3A_16 = arith.constant 0 : i32
    %dma_start3A_17 = tpu.memref_slice %arg5[%mul3A_2, %dma_start3A_16] : memref<16384x5xf32, #tpu.memory_space<hbm>> -> memref<256x5xf32, #tpu.memory_space<hbm>>
    %dma_start3A_18 = arith.constant 0 : i32
    %dma_start3A_19 = arith.constant 0 : i32
    %dma_start3A_20 = tpu.memref_slice %arg9[%dma_start3A_18, %dma_start3A_19] : memref<512x5xf32, #tpu.memory_space<vmem>> -> memref<256x5xf32, #tpu.memory_space<vmem>>
    tpu.enqueue_dma source(%dma_start3A_20 : memref<256x5xf32, #tpu.memory_space<vmem>>) target(%dma_start3A_17 : memref<256x5xf32, #tpu.memory_space<hbm>>) target_semaphore(%arg10 : memref<!tpu.dma_semaphore, #tpu.memory_space<semaphore_mem>>)
    %parallel_loop3A_21 = arith.constant 16 : i32
    %parallel_loop3A_22 = arith.constant 32 : i32
    %parallel_loop3A_23 = arith.constant 1 : i32
    scf.for %parallel_loop3A_56 = %parallel_loop3A_21 to %parallel_loop3A_22 step %parallel_loop3A_23  : i32 {
      %parallel_loop3A_57 = arith.constant 16 : i32
      %parallel_loop3A_58 = arith.muli %parallel_loop3A_56, %parallel_loop3A_57 : i32
      %parallel_loop3A_59 = arith.index_cast %parallel_loop3A_58 : i32 to index
      %parallel_loop3A_60 = tpu.vector_load %arg7[%parallel_loop3A_59] {strides = array<i32>} : memref<512xi32, #tpu.memory_space<vmem>>, vector<16xi32>,
      %parallel_loop3A_61 = arith.index_cast %parallel_loop3A_58 : i32 to index
      %parallel_loop3A_62 = tpu.vector_load %arg8[%parallel_loop3A_61] {strides = array<i32>} : memref<512xi32, #tpu.memory_space<vmem>>, vector<16xi32>,
      %parallel_loop3A_63 = arith.constant 32 : i32
      %parallel_loop3A_64 = vector.broadcast %parallel_loop3A_63 : i32 to vector<16xi32>
      %parallel_loop3A_65 = arith.muli %parallel_loop3A_62, %parallel_loop3A_64 : vector<16xi32>
      %parallel_loop3A_66 = arith.addi %parallel_loop3A_65, %parallel_loop3A_60 : vector<16xi32>
      %parallel_loop3A_67 = arith.constant 3 : i32
      %parallel_loop3A_68 = vector.broadcast %parallel_loop3A_67 : i32 to vector<16xi32>
      %parallel_loop3A_69 = arith.shrui %parallel_loop3A_66, %parallel_loop3A_68 : vector<16xi32>
      %parallel_loop3A_70 = arith.constant 7 : i32
      %parallel_loop3A_71 = vector.broadcast %parallel_loop3A_70 : i32 to vector<16xi32>
      %parallel_loop3A_72 = arith.andi %parallel_loop3A_66, %parallel_loop3A_71 : vector<16xi32>
      %parallel_loop3A_73 = arith.constant 4 : i32
      %parallel_loop3A_74 = vector.broadcast %parallel_loop3A_73 : i32 to vector<16xi32>
      %parallel_loop3A_75 = arith.shli %parallel_loop3A_72, %parallel_loop3A_74 : vector<16xi32>
      %parallel_loop3A_76 = tpu.iota {dimensions = array<i32: 0>} : vector<16xi32>
      %parallel_loop3A_77 = vector.broadcast %parallel_loop3A_58 : i32 to vector<16xi32>
      %parallel_loop3A_78 = arith.addi %parallel_loop3A_76, %parallel_loop3A_77 : vector<16xi32>
      %parallel_loop3A_79 = arith.constant 0 : i32
      %parallel_loop3A_80 = vector.broadcast %parallel_loop3A_79 : i32 to vector<16xi32>
      %parallel_loop3A_81 = arith.addi %parallel_loop3A_75, %parallel_loop3A_80 : vector<16xi32>
      %parallel_loop3A_82 = tpu.vector_load_idx %arg6[%parallel_loop3A_69, %parallel_loop3A_81] : memref<8x128xf32, #tpu.memory_space<vmem>>[vector<16xi32>, vector<16xi32>], vector<16xf32>,
      %parallel_loop3A_83 = arith.constant 0 : i32
      %parallel_loop3A_84 = vector.broadcast %parallel_loop3A_83 : i32 to vector<16xi32>
      tpu.vector_store_idx %arg9[%parallel_loop3A_78, %parallel_loop3A_84], %parallel_loop3A_82 : memref<512x5xf32, #tpu.memory_space<vmem>>[vector<16xi32>, vector<16xi32>], vector<16xf32>,
      %parallel_loop3A_85 = arith.constant 1 : i32
      %parallel_loop3A_86 = vector.broadcast %parallel_loop3A_85 : i32 to vector<16xi32>
      %parallel_loop3A_87 = arith.addi %parallel_loop3A_75, %parallel_loop3A_86 : vector<16xi32>
      %parallel_loop3A_88 = tpu.vector_load_idx %arg6[%parallel_loop3A_69, %parallel_loop3A_87] : memref<8x128xf32, #tpu.memory_space<vmem>>[vector<16xi32>, vector<16xi32>], vector<16xf32>,
      %parallel_loop3A_89 = arith.constant 1 : i32
      %parallel_loop3A_90 = vector.broadcast %parallel_loop3A_89 : i32 to vector<16xi32>
      tpu.vector_store_idx %arg9[%parallel_loop3A_78, %parallel_loop3A_90], %parallel_loop3A_88 : memref<512x5xf32, #tpu.memory_space<vmem>>[vector<16xi32>, vector<16xi32>], vector<16xf32>,
      %parallel_loop3A_91 = arith.constant 2 : i32
      %parallel_loop3A_92 = vector.broadcast %parallel_loop3A_91 : i32 to vector<16xi32>
      %parallel_loop3A_93 = arith.addi %parallel_loop3A_75, %parallel_loop3A_92 : vector<16xi32>
      %parallel_loop3A_94 = tpu.vector_load_idx %arg6[%parallel_loop3A_69, %parallel_loop3A_93] : memref<8x128xf32, #tpu.memory_space<vmem>>[vector<16xi32>, vector<16xi32>], vector<16xf32>,
      %parallel_loop3A_95 = arith.constant 2 : i32
      %parallel_loop3A_96 = vector.broadcast %parallel_loop3A_95 : i32 to vector<16xi32>
      tpu.vector_store_idx %arg9[%parallel_loop3A_78, %parallel_loop3A_96], %parallel_loop3A_94 : memref<512x5xf32, #tpu.memory_space<vmem>>[vector<16xi32>, vector<16xi32>], vector<16xf32>,
      %parallel_loop3A_97 = arith.constant 3 : i32
      %parallel_loop3A_98 = vector.broadcast %parallel_loop3A_97 : i32 to vector<16xi32>
      %parallel_loop3A_99 = arith.addi %parallel_loop3A_75, %parallel_loop3A_98 : vector<16xi32>
      %parallel_loop3A_100 = tpu.vector_load_idx %arg6[%parallel_loop3A_69, %parallel_loop3A_99] : memref<8x128xf32, #tpu.memory_space<vmem>>[vector<16xi32>, vector<16xi32>], vector<16xf32>,
      %parallel_loop3A_101 = arith.constant 3 : i32
      %parallel_loop3A_102 = vector.broadcast %parallel_loop3A_101 : i32 to vector<16xi32>
      tpu.vector_store_idx %arg9[%parallel_loop3A_78, %parallel_loop3A_102], %parallel_loop3A_100 : memref<512x5xf32, #tpu.memory_space<vmem>>[vector<16xi32>, vector<16xi32>], vector<16xf32>,
      %parallel_loop3A_103 = arith.constant 4 : i32
      %parallel_loop3A_104 = vector.broadcast %parallel_loop3A_103 : i32 to vector<16xi32>
      %parallel_loop3A_105 = arith.addi %parallel_loop3A_75, %parallel_loop3A_104 : vector<16xi32>
      %parallel_loop3A_106 = tpu.vector_load_idx %arg6[%parallel_loop3A_69, %parallel_loop3A_105] : memref<8x128xf32, #tpu.memory_space<vmem>>[vector<16xi32>, vector<16xi32>], vector<16xf32>,
      %parallel_loop3A_107 = arith.constant 4 : i32
      %parallel_loop3A_108 = vector.broadcast %parallel_loop3A_107 : i32 to vector<16xi32>
      tpu.vector_store_idx %arg9[%parallel_loop3A_78, %parallel_loop3A_108], %parallel_loop3A_106 : memref<512x5xf32, #tpu.memory_space<vmem>>[vector<16xi32>, vector<16xi32>], vector<16xf32>,
    } {sc.loop_unroll_factor = 8 : i64, sc.parallel_access}
    %add3A_24 = arith.constant 256 : i32
    %add3A_25 = arith.addi %mul3A_2, %add3A_24 : i32
    %dma_start3A_26 = arith.constant 256 : i32
    %dma_start3A_27 = arith.constant 0 : i32
    %dma_start3A_28 = tpu.memref_slice %arg9[%dma_start3A_26, %dma_start3A_27] : memref<512x5xf32, #tpu.memory_space<vmem>> -> memref<256x5xf32, #tpu.memory_space<vmem>>
    %dma_start3A_29 = arith.constant 0 : i32
    %dma_start3A_30 = tpu.memref_slice %arg5[%add3A_25, %dma_start3A_29] : memref<16384x5xf32, #tpu.memory_space<hbm>> -> memref<256x5xf32, #tpu.memory_space<hbm>>
    %dma_start3A_31 = arith.constant 0 : i32
    %dma_start3A_32 = tpu.memref_slice %arg5[%add3A_25, %dma_start3A_31] : memref<16384x5xf32, #tpu.memory_space<hbm>> -> memref<256x5xf32, #tpu.memory_space<hbm>>
    %dma_start3A_33 = arith.constant 256 : i32
    %dma_start3A_34 = arith.constant 0 : i32
    %dma_start3A_35 = tpu.memref_slice %arg9[%dma_start3A_33, %dma_start3A_34] : memref<512x5xf32, #tpu.memory_space<vmem>> -> memref<256x5xf32, #tpu.memory_space<vmem>>
    tpu.enqueue_dma source(%dma_start3A_35 : memref<256x5xf32, #tpu.memory_space<vmem>>) target(%dma_start3A_32 : memref<256x5xf32, #tpu.memory_space<hbm>>) target_semaphore(%arg10 : memref<!tpu.dma_semaphore, #tpu.memory_space<semaphore_mem>>)
    %dma_wait3A_36 = arith.constant 0 : i32
    %dma_wait3A_37 = arith.constant 0 : i32
    %dma_wait3A_38 = tpu.memref_slice %arg9[%dma_wait3A_36, %dma_wait3A_37] : memref<512x5xf32, #tpu.memory_space<vmem>> -> memref<256x5xf32, #tpu.memory_space<vmem>>
    %dma_wait3A_39 = arith.constant 0 : i32
    %dma_wait3A_40 = tpu.memref_slice %arg5[%mul3A_2, %dma_wait3A_39] : memref<16384x5xf32, #tpu.memory_space<hbm>> -> memref<256x5xf32, #tpu.memory_space<hbm>>
    %dma_wait3A_41 = arith.constant 0 : i32
    %dma_wait3A_42 = tpu.memref_slice %arg5[%mul3A_2, %dma_wait3A_41] : memref<16384x5xf32, #tpu.memory_space<hbm>> -> memref<256x5xf32, #tpu.memory_space<hbm>>
    %dma_wait3A_43 = arith.constant 0 : i32
    %dma_wait3A_44 = arith.constant 0 : i32
    %dma_wait3A_45 = tpu.memref_slice %arg9[%dma_wait3A_43, %dma_wait3A_44] : memref<512x5xf32, #tpu.memory_space<vmem>> -> memref<256x5xf32, #tpu.memory_space<vmem>>
    tpu.wait_dma2 semaphore(%arg10 : memref<!tpu.dma_semaphore, #tpu.memory_space<semaphore_mem>>) src(%dma_wait3A_45 : memref<256x5xf32, #tpu.memory_space<vmem>>) dst(%dma_wait3A_42 : memref<256x5xf32, #tpu.memory_space<hbm>>)
    %dma_wait3A_46 = arith.constant 256 : i32
    %dma_wait3A_47 = arith.constant 0 : i32
    %dma_wait3A_48 = tpu.memref_slice %arg9[%dma_wait3A_46, %dma_wait3A_47] : memref<512x5xf32, #tpu.memory_space<vmem>> -> memref<256x5xf32, #tpu.memory_space<vmem>>
    %dma_wait3A_49 = arith.constant 0 : i32
    %dma_wait3A_50 = tpu.memref_slice %arg5[%add3A_25, %dma_wait3A_49] : memref<16384x5xf32, #tpu.memory_space<hbm>> -> memref<256x5xf32, #tpu.memory_space<hbm>>
    %dma_wait3A_51 = arith.constant 0 : i32
    %dma_wait3A_52 = tpu.memref_slice %arg5[%add3A_25, %dma_wait3A_51] : memref<16384x5xf32, #tpu.memory_space<hbm>> -> memref<256x5xf32, #tpu.memory_space<hbm>>
    %dma_wait3A_53 = arith.constant 256 : i32
    %dma_wait3A_54 = arith.constant 0 : i32
    %dma_wait3A_55 = tpu.memref_slice %arg9[%dma_wait3A_53, %dma_wait3A_54] : memref<512x5xf32, #tpu.memory_space<vmem>> -> memref<256x5xf32, #tpu.memory_space<vmem>>
    tpu.wait_dma2 semaphore(%arg10 : memref<!tpu.dma_semaphore, #tpu.memory_space<semaphore_mem>>) src(%dma_wait3A_55 : memref<256x5xf32, #tpu.memory_space<vmem>>) dst(%dma_wait3A_52 : memref<256x5xf32, #tpu.memory_space<hbm>>)
    return
  }
}

module attributes {stable_mosaic.version = 14 : i64} {
  func.func @_combo_body(%arg0: memref<25x128xf32, #tpu.memory_space<vmem>>, %arg1: memref<2x128xf32, #tpu.memory_space<vmem>>, %arg2: memref<5x128xf32, #tpu.memory_space<vmem>>, %arg3: memref<1x5xf32, #tpu.memory_space<vmem>>, %arg4: memref<8x128xf32, #tpu.memory_space<vmem>>) attributes {dimension_semantics = [], scalar_prefetch = 0 : i64, scratch_operands = 0 : i64, tpu.core_type = #tpu.core_type<tc>} {
    %get3A = arith.constant 0 : index
    %get3A_0 = arith.constant 0 : index
    %get3A_1 = vector.load %arg0[%get3A, %get3A_0] : memref<25x128xf32, #tpu.memory_space<vmem>>, vector<25x128xf32>
    %broadcast_in_dim3A = arith.constant 0.000000e+00 : f32
    %broadcast_in_dim3A_2 = vector.broadcast %broadcast_in_dim3A : f32 to vector<7x128xf32>
    %concatenate3A = tpu.concatenate %get3A_1, %broadcast_in_dim3A_2 in 0 : vector<25x128xf32>, vector<7x128xf32> -> vector<32x128xf32>
    %get3A_3 = arith.constant 0 : index
    %get3A_4 = arith.constant 0 : index
    %get3A_5 = vector.load %arg2[%get3A_3, %get3A_4] : memref<5x128xf32, #tpu.memory_space<vmem>>, vector<5x128xf32>
    %broadcast_in_dim3A_6 = arith.constant 0.000000e+00 : f32
    %broadcast_in_dim3A_7 = vector.broadcast %broadcast_in_dim3A_6 : f32 to vector<11x128xf32>
    %concatenate3A_8 = tpu.concatenate %get3A_5, %broadcast_in_dim3A_7 in 0 : vector<5x128xf32>, vector<11x128xf32> -> vector<16x128xf32>
    %get3A_9 = arith.constant 0 : index
    %get3A_10 = arith.constant 0 : index
    %get3A_11 = vector.load %arg3[%get3A_9, %get3A_10] : memref<1x5xf32, #tpu.memory_space<vmem>>, vector<1x5xf32>
    %broadcast_in_dim3A_12 = arith.constant 0.000000e+00 : f32
    %broadcast_in_dim3A_13 = vector.broadcast %broadcast_in_dim3A_12 : f32 to vector<1x11xf32>
    %concatenate3A_14 = tpu.concatenate %get3A_11, %broadcast_in_dim3A_13 in 1 : vector<1x5xf32>, vector<1x11xf32> -> vector<1x16xf32>
    %get3A_15 = arith.constant 0 : index
    %get3A_16 = arith.constant 0 : index
    %get3A_17 = vector.load %arg1[%get3A_15, %get3A_16] : memref<2x128xf32, #tpu.memory_space<vmem>>, vector<1x128xf32>
    %add3A = vector.broadcast %get3A_17 : vector<1x128xf32> to vector<32x128xf32>
    %add3A_18 = arith.addf %concatenate3A, %add3A : vector<32x128xf32>
    %max3A = arith.constant 0.000000e+00 : f32
    %max3A_19 = vector.broadcast %max3A : f32 to vector<32x128xf32>
    %max3A_20 = arith.maximumf %add3A_18, %max3A_19 : vector<32x128xf32>
    %dot_general3A = arith.constant dense<0.000000e+00> : vector<32x16xf32>
    %dot_general3A_21 = tpu.matmul %max3A_20, %concatenate3A_8, %dot_general3A {dimension_numbers = #tpu.dot_dimension_numbers<[1], [1], [0], [0], [0, 0, 1, 0], [], []>, transpose_lhs_hint = false} : vector<32x128xf32>, vector<16x128xf32>, vector<32x16xf32> -> vector<32x16xf32>
    %add3A_22 = vector.broadcast %concatenate3A_14 : vector<1x16xf32> to vector<32x16xf32>
    %add3A_23 = arith.addf %dot_general3A_21, %add3A_22 : vector<32x16xf32>
    %slice3A = vector.extract_strided_slice %add3A_23 {offsets = [0, 0], sizes = [1, 16], strides = [1, 1]} : vector<32x16xf32> to vector<1x16xf32>
    %slice3A_24 = vector.extract_strided_slice %add3A_23 {offsets = [1, 0], sizes = [1, 16], strides = [1, 1]} : vector<32x16xf32> to vector<1x16xf32>
    %slice3A_25 = vector.extract_strided_slice %add3A_23 {offsets = [2, 0], sizes = [1, 16], strides = [1, 1]} : vector<32x16xf32> to vector<1x16xf32>
    %slice3A_26 = vector.extract_strided_slice %add3A_23 {offsets = [3, 0], sizes = [1, 16], strides = [1, 1]} : vector<32x16xf32> to vector<1x16xf32>
    %slice3A_27 = vector.extract_strided_slice %add3A_23 {offsets = [4, 0], sizes = [1, 16], strides = [1, 1]} : vector<32x16xf32> to vector<1x16xf32>
    %slice3A_28 = vector.extract_strided_slice %add3A_23 {offsets = [5, 0], sizes = [1, 16], strides = [1, 1]} : vector<32x16xf32> to vector<1x16xf32>
    %slice3A_29 = vector.extract_strided_slice %add3A_23 {offsets = [6, 0], sizes = [1, 16], strides = [1, 1]} : vector<32x16xf32> to vector<1x16xf32>
    %slice3A_30 = vector.extract_strided_slice %add3A_23 {offsets = [7, 0], sizes = [1, 16], strides = [1, 1]} : vector<32x16xf32> to vector<1x16xf32>
    %concatenate3A_31 = tpu.concatenate %slice3A, %slice3A_24, %slice3A_25, %slice3A_26, %slice3A_27, %slice3A_28, %slice3A_29, %slice3A_30 in 1 : vector<1x16xf32>, vector<1x16xf32>, vector<1x16xf32>, vector<1x16xf32>, vector<1x16xf32>, vector<1x16xf32>, vector<1x16xf32>, vector<1x16xf32> -> vector<1x128xf32>
    %swap3A = arith.constant 0 : index
    %swap3A_32 = arith.constant 0 : index
    %swap3A_33 = vector.load %arg4[%swap3A, %swap3A_32] : memref<8x128xf32, #tpu.memory_space<vmem>>, vector<1x128xf32>
    tpu.vector_store %arg4[%swap3A, %swap3A_32], %concatenate3A_31 {strides = array<i32>} : memref<8x128xf32, #tpu.memory_space<vmem>>, vector<1x128xf32>,
    %slice3A_34 = vector.extract_strided_slice %add3A_23 {offsets = [8, 0], sizes = [1, 16], strides = [1, 1]} : vector<32x16xf32> to vector<1x16xf32>
    %slice3A_35 = vector.extract_strided_slice %add3A_23 {offsets = [9, 0], sizes = [1, 16], strides = [1, 1]} : vector<32x16xf32> to vector<1x16xf32>
    %slice3A_36 = vector.extract_strided_slice %add3A_23 {offsets = [10, 0], sizes = [1, 16], strides = [1, 1]} : vector<32x16xf32> to vector<1x16xf32>
    %slice3A_37 = vector.extract_strided_slice %add3A_23 {offsets = [11, 0], sizes = [1, 16], strides = [1, 1]} : vector<32x16xf32> to vector<1x16xf32>
    %slice3A_38 = vector.extract_strided_slice %add3A_23 {offsets = [12, 0], sizes = [1, 16], strides = [1, 1]} : vector<32x16xf32> to vector<1x16xf32>
    %slice3A_39 = vector.extract_strided_slice %add3A_23 {offsets = [13, 0], sizes = [1, 16], strides = [1, 1]} : vector<32x16xf32> to vector<1x16xf32>
    %slice3A_40 = vector.extract_strided_slice %add3A_23 {offsets = [14, 0], sizes = [1, 16], strides = [1, 1]} : vector<32x16xf32> to vector<1x16xf32>
    %slice3A_41 = vector.extract_strided_slice %add3A_23 {offsets = [15, 0], sizes = [1, 16], strides = [1, 1]} : vector<32x16xf32> to vector<1x16xf32>
    %concatenate3A_42 = tpu.concatenate %slice3A_34, %slice3A_35, %slice3A_36, %slice3A_37, %slice3A_38, %slice3A_39, %slice3A_40, %slice3A_41 in 1 : vector<1x16xf32>, vector<1x16xf32>, vector<1x16xf32>, vector<1x16xf32>, vector<1x16xf32>, vector<1x16xf32>, vector<1x16xf32>, vector<1x16xf32> -> vector<1x128xf32>
    %swap3A_43 = arith.constant 1 : index
    %swap3A_44 = arith.constant 0 : index
    %swap3A_45 = vector.load %arg4[%swap3A_43, %swap3A_44] : memref<8x128xf32, #tpu.memory_space<vmem>>, vector<1x128xf32>
    tpu.vector_store %arg4[%swap3A_43, %swap3A_44], %concatenate3A_42 {strides = array<i32>} : memref<8x128xf32, #tpu.memory_space<vmem>>, vector<1x128xf32>,
    %slice3A_46 = vector.extract_strided_slice %add3A_23 {offsets = [16, 0], sizes = [1, 16], strides = [1, 1]} : vector<32x16xf32> to vector<1x16xf32>
    %slice3A_47 = vector.extract_strided_slice %add3A_23 {offsets = [17, 0], sizes = [1, 16], strides = [1, 1]} : vector<32x16xf32> to vector<1x16xf32>
    %slice3A_48 = vector.extract_strided_slice %add3A_23 {offsets = [18, 0], sizes = [1, 16], strides = [1, 1]} : vector<32x16xf32> to vector<1x16xf32>
    %slice3A_49 = vector.extract_strided_slice %add3A_23 {offsets = [19, 0], sizes = [1, 16], strides = [1, 1]} : vector<32x16xf32> to vector<1x16xf32>
    %slice3A_50 = vector.extract_strided_slice %add3A_23 {offsets = [20, 0], sizes = [1, 16], strides = [1, 1]} : vector<32x16xf32> to vector<1x16xf32>
    %slice3A_51 = vector.extract_strided_slice %add3A_23 {offsets = [21, 0], sizes = [1, 16], strides = [1, 1]} : vector<32x16xf32> to vector<1x16xf32>
    %slice3A_52 = vector.extract_strided_slice %add3A_23 {offsets = [22, 0], sizes = [1, 16], strides = [1, 1]} : vector<32x16xf32> to vector<1x16xf32>
    %slice3A_53 = vector.extract_strided_slice %add3A_23 {offsets = [23, 0], sizes = [1, 16], strides = [1, 1]} : vector<32x16xf32> to vector<1x16xf32>
    %concatenate3A_54 = tpu.concatenate %slice3A_46, %slice3A_47, %slice3A_48, %slice3A_49, %slice3A_50, %slice3A_51, %slice3A_52, %slice3A_53 in 1 : vector<1x16xf32>, vector<1x16xf32>, vector<1x16xf32>, vector<1x16xf32>, vector<1x16xf32>, vector<1x16xf32>, vector<1x16xf32>, vector<1x16xf32> -> vector<1x128xf32>
    %swap3A_55 = arith.constant 2 : index
    %swap3A_56 = arith.constant 0 : index
    %swap3A_57 = vector.load %arg4[%swap3A_55, %swap3A_56] : memref<8x128xf32, #tpu.memory_space<vmem>>, vector<1x128xf32>
    tpu.vector_store %arg4[%swap3A_55, %swap3A_56], %concatenate3A_54 {strides = array<i32>} : memref<8x128xf32, #tpu.memory_space<vmem>>, vector<1x128xf32>,
    %slice3A_58 = vector.extract_strided_slice %add3A_23 {offsets = [24, 0], sizes = [1, 16], strides = [1, 1]} : vector<32x16xf32> to vector<1x16xf32>
    %slice3A_59 = vector.extract_strided_slice %add3A_23 {offsets = [25, 0], sizes = [1, 16], strides = [1, 1]} : vector<32x16xf32> to vector<1x16xf32>
    %slice3A_60 = vector.extract_strided_slice %add3A_23 {offsets = [26, 0], sizes = [1, 16], strides = [1, 1]} : vector<32x16xf32> to vector<1x16xf32>
    %slice3A_61 = vector.extract_strided_slice %add3A_23 {offsets = [27, 0], sizes = [1, 16], strides = [1, 1]} : vector<32x16xf32> to vector<1x16xf32>
    %slice3A_62 = vector.extract_strided_slice %add3A_23 {offsets = [28, 0], sizes = [1, 16], strides = [1, 1]} : vector<32x16xf32> to vector<1x16xf32>
    %slice3A_63 = vector.extract_strided_slice %add3A_23 {offsets = [29, 0], sizes = [1, 16], strides = [1, 1]} : vector<32x16xf32> to vector<1x16xf32>
    %slice3A_64 = vector.extract_strided_slice %add3A_23 {offsets = [30, 0], sizes = [1, 16], strides = [1, 1]} : vector<32x16xf32> to vector<1x16xf32>
    %slice3A_65 = vector.extract_strided_slice %add3A_23 {offsets = [31, 0], sizes = [1, 16], strides = [1, 1]} : vector<32x16xf32> to vector<1x16xf32>
    %concatenate3A_66 = tpu.concatenate %slice3A_58, %slice3A_59, %slice3A_60, %slice3A_61, %slice3A_62, %slice3A_63, %slice3A_64, %slice3A_65 in 1 : vector<1x16xf32>, vector<1x16xf32>, vector<1x16xf32>, vector<1x16xf32>, vector<1x16xf32>, vector<1x16xf32>, vector<1x16xf32>, vector<1x16xf32> -> vector<1x128xf32>
    %swap3A_67 = arith.constant 3 : index
    %swap3A_68 = arith.constant 0 : index
    %swap3A_69 = vector.load %arg4[%swap3A_67, %swap3A_68] : memref<8x128xf32, #tpu.memory_space<vmem>>, vector<1x128xf32>
    tpu.vector_store %arg4[%swap3A_67, %swap3A_68], %concatenate3A_66 {strides = array<i32>} : memref<8x128xf32, #tpu.memory_space<vmem>>, vector<1x128xf32>,
    %get3A_70 = arith.constant 1 : index
    %get3A_71 = arith.constant 0 : index
    %get3A_72 = vector.load %arg1[%get3A_70, %get3A_71] : memref<2x128xf32, #tpu.memory_space<vmem>>, vector<1x128xf32>
    %add3A_73 = vector.broadcast %get3A_72 : vector<1x128xf32> to vector<32x128xf32>
    %add3A_74 = arith.addf %concatenate3A, %add3A_73 : vector<32x128xf32>
    %max3A_75 = arith.constant 0.000000e+00 : f32
    %max3A_76 = vector.broadcast %max3A_75 : f32 to vector<32x128xf32>
    %max3A_77 = arith.maximumf %add3A_74, %max3A_76 : vector<32x128xf32>
    %dot_general3A_78 = arith.constant dense<0.000000e+00> : vector<32x16xf32>
    %dot_general3A_79 = tpu.matmul %max3A_77, %concatenate3A_8, %dot_general3A_78 {dimension_numbers = #tpu.dot_dimension_numbers<[1], [1], [0], [0], [0, 0, 1, 0], [], []>, transpose_lhs_hint = false} : vector<32x128xf32>, vector<16x128xf32>, vector<32x16xf32> -> vector<32x16xf32>
    %add3A_80 = vector.broadcast %concatenate3A_14 : vector<1x16xf32> to vector<32x16xf32>
    %add3A_81 = arith.addf %dot_general3A_79, %add3A_80 : vector<32x16xf32>
    %slice3A_82 = vector.extract_strided_slice %add3A_81 {offsets = [0, 0], sizes = [1, 16], strides = [1, 1]} : vector<32x16xf32> to vector<1x16xf32>
    %slice3A_83 = vector.extract_strided_slice %add3A_81 {offsets = [1, 0], sizes = [1, 16], strides = [1, 1]} : vector<32x16xf32> to vector<1x16xf32>
    %slice3A_84 = vector.extract_strided_slice %add3A_81 {offsets = [2, 0], sizes = [1, 16], strides = [1, 1]} : vector<32x16xf32> to vector<1x16xf32>
    %slice3A_85 = vector.extract_strided_slice %add3A_81 {offsets = [3, 0], sizes = [1, 16], strides = [1, 1]} : vector<32x16xf32> to vector<1x16xf32>
    %slice3A_86 = vector.extract_strided_slice %add3A_81 {offsets = [4, 0], sizes = [1, 16], strides = [1, 1]} : vector<32x16xf32> to vector<1x16xf32>
    %slice3A_87 = vector.extract_strided_slice %add3A_81 {offsets = [5, 0], sizes = [1, 16], strides = [1, 1]} : vector<32x16xf32> to vector<1x16xf32>
    %slice3A_88 = vector.extract_strided_slice %add3A_81 {offsets = [6, 0], sizes = [1, 16], strides = [1, 1]} : vector<32x16xf32> to vector<1x16xf32>
    %slice3A_89 = vector.extract_strided_slice %add3A_81 {offsets = [7, 0], sizes = [1, 16], strides = [1, 1]} : vector<32x16xf32> to vector<1x16xf32>
    %concatenate3A_90 = tpu.concatenate %slice3A_82, %slice3A_83, %slice3A_84, %slice3A_85, %slice3A_86, %slice3A_87, %slice3A_88, %slice3A_89 in 1 : vector<1x16xf32>, vector<1x16xf32>, vector<1x16xf32>, vector<1x16xf32>, vector<1x16xf32>, vector<1x16xf32>, vector<1x16xf32>, vector<1x16xf32> -> vector<1x128xf32>
    %swap3A_91 = arith.constant 4 : index
    %swap3A_92 = arith.constant 0 : index
    %swap3A_93 = vector.load %arg4[%swap3A_91, %swap3A_92] : memref<8x128xf32, #tpu.memory_space<vmem>>, vector<1x128xf32>
    tpu.vector_store %arg4[%swap3A_91, %swap3A_92], %concatenate3A_90 {strides = array<i32>} : memref<8x128xf32, #tpu.memory_space<vmem>>, vector<1x128xf32>,
    %slice3A_94 = vector.extract_strided_slice %add3A_81 {offsets = [8, 0], sizes = [1, 16], strides = [1, 1]} : vector<32x16xf32> to vector<1x16xf32>
    %slice3A_95 = vector.extract_strided_slice %add3A_81 {offsets = [9, 0], sizes = [1, 16], strides = [1, 1]} : vector<32x16xf32> to vector<1x16xf32>
    %slice3A_96 = vector.extract_strided_slice %add3A_81 {offsets = [10, 0], sizes = [1, 16], strides = [1, 1]} : vector<32x16xf32> to vector<1x16xf32>
    %slice3A_97 = vector.extract_strided_slice %add3A_81 {offsets = [11, 0], sizes = [1, 16], strides = [1, 1]} : vector<32x16xf32> to vector<1x16xf32>
    %slice3A_98 = vector.extract_strided_slice %add3A_81 {offsets = [12, 0], sizes = [1, 16], strides = [1, 1]} : vector<32x16xf32> to vector<1x16xf32>
    %slice3A_99 = vector.extract_strided_slice %add3A_81 {offsets = [13, 0], sizes = [1, 16], strides = [1, 1]} : vector<32x16xf32> to vector<1x16xf32>
    %slice3A_100 = vector.extract_strided_slice %add3A_81 {offsets = [14, 0], sizes = [1, 16], strides = [1, 1]} : vector<32x16xf32> to vector<1x16xf32>
    %slice3A_101 = vector.extract_strided_slice %add3A_81 {offsets = [15, 0], sizes = [1, 16], strides = [1, 1]} : vector<32x16xf32> to vector<1x16xf32>
    %concatenate3A_102 = tpu.concatenate %slice3A_94, %slice3A_95, %slice3A_96, %slice3A_97, %slice3A_98, %slice3A_99, %slice3A_100, %slice3A_101 in 1 : vector<1x16xf32>, vector<1x16xf32>, vector<1x16xf32>, vector<1x16xf32>, vector<1x16xf32>, vector<1x16xf32>, vector<1x16xf32>, vector<1x16xf32> -> vector<1x128xf32>
    %swap3A_103 = arith.constant 5 : index
    %swap3A_104 = arith.constant 0 : index
    %swap3A_105 = vector.load %arg4[%swap3A_103, %swap3A_104] : memref<8x128xf32, #tpu.memory_space<vmem>>, vector<1x128xf32>
    tpu.vector_store %arg4[%swap3A_103, %swap3A_104], %concatenate3A_102 {strides = array<i32>} : memref<8x128xf32, #tpu.memory_space<vmem>>, vector<1x128xf32>,
    %slice3A_106 = vector.extract_strided_slice %add3A_81 {offsets = [16, 0], sizes = [1, 16], strides = [1, 1]} : vector<32x16xf32> to vector<1x16xf32>
    %slice3A_107 = vector.extract_strided_slice %add3A_81 {offsets = [17, 0], sizes = [1, 16], strides = [1, 1]} : vector<32x16xf32> to vector<1x16xf32>
    %slice3A_108 = vector.extract_strided_slice %add3A_81 {offsets = [18, 0], sizes = [1, 16], strides = [1, 1]} : vector<32x16xf32> to vector<1x16xf32>
    %slice3A_109 = vector.extract_strided_slice %add3A_81 {offsets = [19, 0], sizes = [1, 16], strides = [1, 1]} : vector<32x16xf32> to vector<1x16xf32>
    %slice3A_110 = vector.extract_strided_slice %add3A_81 {offsets = [20, 0], sizes = [1, 16], strides = [1, 1]} : vector<32x16xf32> to vector<1x16xf32>
    %slice3A_111 = vector.extract_strided_slice %add3A_81 {offsets = [21, 0], sizes = [1, 16], strides = [1, 1]} : vector<32x16xf32> to vector<1x16xf32>
    %slice3A_112 = vector.extract_strided_slice %add3A_81 {offsets = [22, 0], sizes = [1, 16], strides = [1, 1]} : vector<32x16xf32> to vector<1x16xf32>
    %slice3A_113 = vector.extract_strided_slice %add3A_81 {offsets = [23, 0], sizes = [1, 16], strides = [1, 1]} : vector<32x16xf32> to vector<1x16xf32>
    %concatenate3A_114 = tpu.concatenate %slice3A_106, %slice3A_107, %slice3A_108, %slice3A_109, %slice3A_110, %slice3A_111, %slice3A_112, %slice3A_113 in 1 : vector<1x16xf32>, vector<1x16xf32>, vector<1x16xf32>, vector<1x16xf32>, vector<1x16xf32>, vector<1x16xf32>, vector<1x16xf32>, vector<1x16xf32> -> vector<1x128xf32>
    %swap3A_115 = arith.constant 6 : index
    %swap3A_116 = arith.constant 0 : index
    %swap3A_117 = vector.load %arg4[%swap3A_115, %swap3A_116] : memref<8x128xf32, #tpu.memory_space<vmem>>, vector<1x128xf32>
    tpu.vector_store %arg4[%swap3A_115, %swap3A_116], %concatenate3A_114 {strides = array<i32>} : memref<8x128xf32, #tpu.memory_space<vmem>>, vector<1x128xf32>,
    %slice3A_118 = vector.extract_strided_slice %add3A_81 {offsets = [24, 0], sizes = [1, 16], strides = [1, 1]} : vector<32x16xf32> to vector<1x16xf32>
    %slice3A_119 = vector.extract_strided_slice %add3A_81 {offsets = [25, 0], sizes = [1, 16], strides = [1, 1]} : vector<32x16xf32> to vector<1x16xf32>
    %slice3A_120 = vector.extract_strided_slice %add3A_81 {offsets = [26, 0], sizes = [1, 16], strides = [1, 1]} : vector<32x16xf32> to vector<1x16xf32>
    %slice3A_121 = vector.extract_strided_slice %add3A_81 {offsets = [27, 0], sizes = [1, 16], strides = [1, 1]} : vector<32x16xf32> to vector<1x16xf32>
    %slice3A_122 = vector.extract_strided_slice %add3A_81 {offsets = [28, 0], sizes = [1, 16], strides = [1, 1]} : vector<32x16xf32> to vector<1x16xf32>
    %slice3A_123 = vector.extract_strided_slice %add3A_81 {offsets = [29, 0], sizes = [1, 16], strides = [1, 1]} : vector<32x16xf32> to vector<1x16xf32>
    %slice3A_124 = vector.extract_strided_slice %add3A_81 {offsets = [30, 0], sizes = [1, 16], strides = [1, 1]} : vector<32x16xf32> to vector<1x16xf32>
    %slice3A_125 = vector.extract_strided_slice %add3A_81 {offsets = [31, 0], sizes = [1, 16], strides = [1, 1]} : vector<32x16xf32> to vector<1x16xf32>
    %concatenate3A_126 = tpu.concatenate %slice3A_118, %slice3A_119, %slice3A_120, %slice3A_121, %slice3A_122, %slice3A_123, %slice3A_124, %slice3A_125 in 1 : vector<1x16xf32>, vector<1x16xf32>, vector<1x16xf32>, vector<1x16xf32>, vector<1x16xf32>, vector<1x16xf32>, vector<1x16xf32>, vector<1x16xf32> -> vector<1x128xf32>
    %swap3A_127 = arith.constant 7 : index
    %swap3A_128 = arith.constant 0 : index
    %swap3A_129 = vector.load %arg4[%swap3A_127, %swap3A_128] : memref<8x128xf32, #tpu.memory_space<vmem>>, vector<1x128xf32>
    tpu.vector_store %arg4[%swap3A_127, %swap3A_128], %concatenate3A_126 {strides = array<i32>} : memref<8x128xf32, #tpu.memory_space<vmem>>, vector<1x128xf32>,
    return
  }
}

</mosaic_0001>

<sc_bundles>
// kernel: kernel.4.cloned.1.call-start
scs
__scs_entry_jumppad:
0x0: {  	(pc) =	sbr.rel $0x88, $3  }
0x1: {  	(tag) =	ssettag $0x0;
	lr =	simm.s32 $0x1  }
0x2: {  	[smem:$0x3F9B] =	sst lr;
	_ =	strace $0xD0000000  }
0x3: {  	_ = 	snop  }
0x4: {  	_ = 	snop  }
0x5: {  	_ = 	snop  }
0x6: {  	_ = 	snop  }
0x7: {  	_ = 	snop  }
__scs_overlays_trampoline_lowered:
0x8: {  	[smem:$0x3FAA] =	sst s0  }
0x9: {  	[smem:$0x3FAB] =	sst s1  }
0xa: {  	[smem:$0x3FAC] =	sst s2  }
0xb: {  	[smem:$0x3FAD] =	sst s3  }
0xc: {  	[smem:$0x3FAE] =	sst s4  }
0xd: {  	[smem:$0x3FAF] =	sst s5  }
0xe: {  	[smem:$0x3FB0] =	sst s6  }
0xf: {  	[smem:$0x3FB1] =	sst s7  }
0x10: {  	[smem:$0x3FB2] =	sst s8  }
0x11: {  	[smem:$0x3FB3] =	sst s9;
	s0 =	simm.s32 @!p0 $0x0  }
0x12: {  	s1 =	sld [smem:$0x3F99];
	s0 =	simm.s32 @p0 $0x1  }
0x13: {  	[smem:$0x3FB4] =	sst s0;
	s0 =	simm.s32 @!p1 $0x0  }
0x14: {  	s2 =	sld [smem:$0x3F98];
	s0 =	simm.s32 @p1 $0x1  }
0x15: {  	[smem:$0x3FB5] =	sst s0;
	s0 =	simm.s32 @!p2 $0x0  }
0x16: {  	s3 =	sld [smem:$0x3FDB];
	s0 =	simm.s32 @p2 $0x1  }
0x17: {  	s4 =	simm.s32 $0x1BF5;
	[smem:$0x3FB7] =	sst s0  }
0x18: {  	s0 =	sld [smem:$0x3F9A];
	_ =	swait.ge [sflag:s4], $0x0  }
0x19: {  	s7 =	sld [smem:$0x3F9B]  }
0x1a: {  	s8 =	sadd.s32 $0xFFFFE003, lr  }
0x1b: {  	s9 =	sadd.s32 $0xFFFFFEF7, lr;
	s5 =	simm.s32 $0xFFFFFFFF;
	p2 =	slt.u32 s8, $0xFFFFF086  }
0x1c: {  	p1 =	slt.u32 s9, $0xF7A;
	s5 =	simm.s32 @!p2 $0x0  }
0x1d: {  	s5 =	simm.s32 @p1 $0x1;
	p0 =	seq.s32 s7, s2  }
0x1e: {  	s7 =	smul.u32 @!p0 $0xF7A, s2;
	p2 =	seq.s32 @!p0 s5, $0x0  }
0x1f: {  	s9 =	smul.u32 $0xF7A, s1;
	s8 =	simm.s32 @!p0 $0x1BF5;
	p2 =	por !p2, p0  }
0x20: {  	[sflag:s8] =	ssyncset.s32 @!p0 $0xFFFFF086;
	s6 =	sadd.s32 @!p0 s3, s7;
	s7 =	simm.s32 @!p0 $0x108  }
0x21: {  	s3 =	sadd.s32 s3, s9;
	s6 =	sadd.s32 @!p0 $0x88, s6;
	s7 =	simm.s32 @p2 $0x1082  }
0x22: {  	[simem:s7], [sflag:s8] =	dma.local @!p0 [hbm:s6], $0xF7A  }
0x23: {  	s9 =	sor.u32 $0xD0000000, s2;
	s6 =	simm.s32 $0x108;
	_ =	swait.ge @!p0 [sflag:s8], $0x0  }
0x24: {  	s3 =	sadd.s32 $0x88, s3;
	s6 =	simm.s32 @!p1 $0x1082;
	[sflag:s4] =	ssyncset.s32 $0xFFFFF086  }
0x25: {  	[simem:s6], [sflag:s4] =	dma.local [hbm:s3], $0xF7A  }
0x26: {  	[smem:$0x3F9B] =	sst s1;
	(tag) =	ssettag s2;
	_ =	strace s9  }
0x27: {  	s1 =	sld [smem:$0x3FAB]  }
0x28: {  	s2 =	sld [smem:$0x3FAC]  }
0x29: {  	s4 =	sld [smem:$0x3FAE]  }
0x2a: {  	p0 =	seq.s32 s5, $0x0;
	s5 =	sld [smem:$0x3FAF]  }
0x2b: {  	s6 =	sld [smem:$0x3FB0]  }
0x2c: {  	s7 =	sld [smem:$0x3FB1]  }
0x2d: {  	s3 =	simm.s32 $0x108;
	s8 =	sld [smem:$0x3FB2]  }
0x2e: {  	s3 =	simm.s32 @!p0 $0x1082;
	s9 =	sld [smem:$0x3FB3]  }
0x2f: {  	lr =	sadd.s32 s0, s3;
	s0 =	sld [smem:$0x3FAA]  }
0x30: {  	s3 =	sld [smem:$0x3FAD]  }
0x31: {  	[smem:$0x3FB6] =	sst s10  }
0x32: {  	s10 =	sld [smem:$0x3FB4];
	_ =	sdelay $0x3  }
0x33: {  	p0 =	seq.s32 s10, $0x1;
	s10 =	sld [smem:$0x3FB6];
	_ =	sdelay $0x3  }
0x34: {  	[smem:$0x3FB6] =	sst s10  }
0x35: {  	s10 =	sld [smem:$0x3FB5];
	_ =	sdelay $0x3  }
0x36: {  	p1 =	seq.s32 s10, $0x1;
	s10 =	sld [smem:$0x3FB6];
	_ =	sdelay $0x3  }
0x37: {  	[smem:$0x3FB6] =	sst s10  }
0x38: {  	s10 =	sld [smem:$0x3FB7]  }
0x39: {  	_ = 	snop;
	(pc) =	sbr.ind lr, $3  }
0x3a: {  	_ = 	snop  }
0x3b: {  	_ = 	snop  }
0x3c: {  	p2 =	seq.s32 s10, $0x1;
	s10 =	sld [smem:$0x3FB6]  }
0x3d: {  	_ =	shalt  }
0x3e: {  	_ =	shalt  }
0x3f: {  	_ =	shalt  }
0x40: {  	_ =	shalt  }
0x41: {  	_ =	shalt  }
0x42: {  	_ =	shalt  }
0x43: {  	_ =	shalt  }
0x44: {  	_ =	shalt  }
0x45: {  	_ =	shalt  }
0x46: {  	_ =	shalt  }
0x47: {  	_ =	shalt  }
0x48: {  	_ =	shalt  }
0x49: {  	_ =	shalt  }
0x4a: {  	_ =	shalt  }
0x4b: {  	_ =	shalt  }
0x4c: {  	_ =	shalt  }
0x4d: {  	_ =	shalt  }
0x4e: {  	_ =	shalt  }
0x4f: {  	_ =	shalt  }
0x50: {  	_ =	shalt  }
0x51: {  	_ =	shalt  }
0x52: {  	_ =	shalt  }
0x53: {  	_ =	shalt  }
0x54: {  	_ =	shalt  }
0x55: {  	_ =	shalt  }
0x56: {  	_ =	shalt  }
0x57: {  	_ =	shalt  }
0x58: {  	_ =	shalt  }
0x59: {  	_ =	shalt  }
0x5a: {  	_ =	shalt  }
0x5b: {  	_ =	shalt  }
0x5c: {  	_ =	shalt  }
0x5d: {  	_ =	shalt  }
0x5e: {  	_ =	shalt  }
0x5f: {  	_ =	shalt  }
0x60: {  	_ =	shalt  }
0x61: {  	_ =	shalt  }
0x62: {  	_ =	shalt  }
0x63: {  	_ =	shalt  }
0x64: {  	_ =	shalt  }
0x65: {  	_ =	shalt  }
0x66: {  	_ =	shalt  }
0x67: {  	_ =	shalt  }
0x68: {  	_ =	shalt  }
0x69: {  	_ =	shalt  }
0x6a: {  	_ =	shalt  }
0x6b: {  	_ =	shalt  }
0x6c: {  	_ =	shalt  }
0x6d: {  	_ =	shalt  }
0x6e: {  	_ =	shalt  }
0x6f: {  	_ =	shalt  }
0x70: {  	_ =	shalt  }
0x71: {  	_ =	shalt  }
0x72: {  	_ =	shalt  }
0x73: {  	_ =	shalt  }
0x74: {  	_ =	shalt  }
0x75: {  	_ =	shalt  }
0x76: {  	_ =	shalt  }
0x77: {  	_ =	shalt  }
0x78: {  	_ =	shalt  }
0x79: {  	_ =	shalt  }
0x7a: {  	_ =	shalt  }
0x7b: {  	_ =	shalt  }
0x7c: {  	_ =	shalt  }
0x7d: {  	_ =	shalt  }
0x7e: {  	_ =	shalt  }
0x7f: {  	_ =	shalt  }
0x80: {  	_ =	shalt  }
0x81: {  	_ =	shalt  }
0x82: {  	_ =	shalt  }
0x83: {  	_ =	shalt  }
0x84: {  	_ =	shalt  }
0x85: {  	_ =	shalt  }
0x86: {  	_ =	shalt  }
0x87: {  	_ =	shalt  }
.Lfunc_end0:
.L_simem_size_0:
called_computation_lowered:
.L_overlay_start_0:
0x88: {  	s2 =	sld [smem:$0x3FD9]  }
0x89: {  	s3 =	sld [smem:$0x3FFE];
	_ =	sdelay $0x1  }
0x8a: {  	s1 =	srdreg.scid  }
0x8b: {  	s0 =	sand.u32 $0x1, s1  }
0x8c: {  	s17 =	sshll.u32 s0, $0xA;
	s2 =	sadd.s32 s3, s2  }
0x8d: {  	s2 =	sadd.s32 s2, s17  }
0x8e: {  	[smem:$0x3FC2] =	sst s2  }
0x8f: {  	_ = 	snop  }
0x90: {  	s2 =	sld [smem:$0x3FC9]  }
0x91: {  	s18 =	sld [smem:$0x3FC8]  }
0x92: {  	s4 =	sld [smem:$0x3FD0];
	(tm) =	ssettm $0x1  }
0x93: {  	s5 =	sld [smem:$0x3FFB];
	_ =	sdelay $0x3  }
0x94: {  	_ =	strace s5  }
0x95: {  	s5 =	sld [smem:$0x3FFC];
	_ =	sdelay $0x3  }
0x96: {  	_ =	strace s5  }
0x97: {  	s5 =	sld [smem:$0x3FFD];
	_ =	sdelay $0x3  }
0x98: {  	_ =	strace s5  }
0x99: {  	_ =	strace $0x8FFFFFFF  }
0x9a: {  	s19 =	sld [smem:$0x3FDB];
	_ =	sdelay $0x1  }
0x9b: {  	s6 =	simm.s32 $_scs_section_size  }
0x9c: {  	s7 =	simm.s32 $_size__tile_overlayer_lowered;
	s8 =	simm.s32 $_tile_overlayer_lowered  }
0x9d: {  	s22 =	simm.s32 $0x1BFF;
	s21 =	sshll.u32 s8, $0x1;
	s5 =	sadd.s32 s6, s19  }
0x9e: {  	s9 =	simm.s32 $0x0;
	s20 =	sshll.u32 s7, $0x1;
	s7 =	sadd.s32 s21, s5  }
0x9f: {  	[timem:s9], [sflag:s22] =	dma.local [hbm:s7], s20  }
0xa0: {  	_ =	swait.ge [sflag:s22], s20  }
0xa1: {  	s6 =	ssub.s32 $0x0, s20;
	[sflag:s22] =	ssyncset.done $0x0  }
0xa2: {  	[sflag:s22] =	ssyncadd.s32 s6;
	_ =	sdelay $0x1  }
0xa3: {  	s23 =	simm.s32 $0x1B8B  }
0xa4: {  	_ =	swait.ge [sflag:s23], $0x1  }
0xa5: {  	[sflag:s23] =	ssyncset.done $0x0  }
0xa6: {  	s25 =	simm.s32 $0x1B8E;
	s24 =	sld [smem:$0x3FFE];
	[sflag:s23] =	ssyncadd.s32 $0xFFFFFFFF  }
0xa7: {  	s26 =	simm.s32 $execute0_lowered;
	[smem:$0x3FD2] =	sst s25  }
0xa8: {  	s7 =	sshll.u32 s26, $0x1;
	_ =	strace $0x80000046;
	[dreg:$0x1] =	wrdreg $0xFFFFFFFF  }
0xa9: {  	s28 =	simm.s32 $_size_execute0_lowered;
	s5 =	sadd.s32 s5, s7;
	[dreg:$0x0] =	wrdreg $0x0  }
0xaa: {  	s7 =	sshll.u32 s28, $0x1;
	[dreg:$0x2] =	wrdreg s5  }
0xab: {  	[dreg:$0x3] =	wrdreg s7  }
0xac: {  	[dreg:$0x4] =	wrdreg $0xC0  }
0xad: {  	_ =	task [dreg:s9], $0x5FFFF  }
0xae: {  	[dreg:$0x1] =	wrdreg $0xFFFFFFFF  }
0xaf: {  	[dreg:$0x0] =	wrdreg $0x60  }
0xb0: {  	[dreg:$0x2] =	wrdreg s2  }
0xb1: {  	[dreg:$0x3] =	wrdreg s18  }
0xb2: {  	[dreg:$0x4] =	wrdreg s4  }
0xb3: {  	[dreg:$0x5] =	wrdreg s24  }
0xb4: {  	[dreg:$0x6] =	wrdreg $0x9  }
0xb5: {  	_ =	task.clear_ibuf [dreg:s9], $0x7FFFF;
	_ =	strace $0x90000046  }
0xb6: {  	s29 =	simm.s32 $0x9;
	_ =	strace $0x80000048  }
0xb7: {  	_ =	swait.ge [sflag:s29], $0x1  }
0xb8: {  	[sflag:s29] =	ssyncadd.s32 $0xFFFFFFFF  }
0xb9: {  	_ =	strace $0x90000048  }
0xba: {  	_ =	sfence  }
0xbb: {  	s30 =	sld [smem:$0x0];
	_ =	sdelay $0x2  }
0xbc: {  	s31 =	sshll.u32 s1, $0xD;
	s1 =	sshrl.u32 s1, $0x2  }
0xbd: {  	s3 =	sand.u32 $0x4000, s31;
	s1 =	sadd.s32 s1, s30  }
0xbe: {  	s0 =	sor.u32 s3, s0;
	s1 =	sshll.u32 s1, $0x11  }
0xbf: {  	s0 =	sor.u32 s1, s0  }
0xc0: {  	s0 =	sadd.s32 $0x8F2B, s0  }
0xc1: {  	[sflag:s0] =	ssyncadd.remote.s32 $0x1  }
0xc2: {  	_ =	sfence.sel $0xFFFF  }
0xc3: {  	[dreg:$0x0] =	wrdreg $0xFFFFFFFF;
	(pc) =	sbr.abs _section_cstart, $3  }
0xc4: {  	[dreg:$0x1] =	wrdreg $0xFFFFFFFF  }
0xc5: {  	_ =	task.clear_ibuf [dreg:s9], $0x2FFFF;
	_ =	strace $0x9FFFFFFF  }
0xc6: {  	(tm) =	ssettm $0x7FFFFFFF  }
0xc7: {  	_ =	shalt  }
tec
execute0_lowered:
.L_overlay_start_1:
0x0: {  	(tag) =	ssettag $0x1  }
0x1: {  	s4 =	rddreg [dreg:$0x0]  }
0x2: {  	s5 =	rddreg [dreg:$0x1]  }
0x3: {  	s2 =	rddreg [dreg:$0x2]  }
0x4: {  	s6 =	rddreg [dreg:$0x3];
	s3 =	srdreg.scid  }
0x5: {  	s0 =	rddreg [dreg:$0x4];
	s1 =	stileid.u32  }
0x6: {  	s11 =	simm.s32 $0x1;
	s12 =	simm.s32 $0x800;
	s13 =	simm.s32 $0x8800  }
0x7: {  	s14 =	simm.s32 $0x0;
	s7 =	sand.u32 $0x1, s3;
	s3 =	simm.s32 $0x0  }
0x8: {  	s8 =	sshll.u32 s1, $0xA;
	s9 =	sshll.u32 s7, $0x9;
	[smem:$0x7FF] =	sst s3  }
0x9: {  	s7 =	ssub.s32 $0x2, s7;
	s8 =	sor.u32 s9, s8;
	_ =	strace $0x80000047  }
0xa: {  	s31 =	sshrl.u32 s7, $0x1;
	s9 =	sshll.u32 s8, $0x4;
	s8 =	sshrl.u32 s8, $0x3  }
0xb: {  	s10 =	ssub.s32 s7, s31;
	s9 =	sadd.s32 s9, s6;
	s4 =	sadd.s32 s4, s8  }
0xc: {  	v0 =	vlaneseq.u32;
	s5 =	sadd.s32 s5, s8;
	s8 =	smax.u32 s10, $0x1;
	s10 =	simm.s32 $0x600  }
0xd: {  	v0 =	vmul.u32 $0x80, v0;
	s6 =	sadd.s32 $0xE00, s9;
	s7 =	sadd.s32 $0x1E00, s9;
	s9 =	simm.s32 $0x400  }
.LBB2_1:
0xe: {  	[tilespmem:s3], [sflag:$0x1] =	stream.linear.gather [hbm4b:s2+s3], $0x400, $0x38;
	[tilespmem:$0x10800] =	vst v63  }
0xf: {  	_ = 	snop  }
0x10: {  	[tilespmem:s9], [sflag:$0x1] =	stream.linear.gather [hbm4b:s4+s3], $0x200, $0x38;
	[tilespmem:$0x10800] =	vst v63  }
0x11: {  	_ = 	snop  }
0x12: {  	[tilespmem:s10], [sflag:$0x1] =	stream.linear.gather [hbm4b:s5+s3], $0x200, $0x38;
	[tilespmem:$0x10800] =	vst v63  }
0x13: {  	_ =	swait.ge [sflag:s11], $0x400  }
0x14: {  	[sflag:s11] =	ssyncset.done $0x0  }
0x15: {  	[sflag:s11] =	ssyncadd.s32 $0xFFFFFC00  }
0x16: {  	_ =	swait.ge [sflag:s11], $0x200  }
0x17: {  	[sflag:s11] =	ssyncset.done $0x0  }
0x18: {  	[sflag:s11] =	ssyncadd.s32 $0xFFFFFE00  }
0x19: {  	_ =	swait.ge [sflag:s11], $0x200  }
0x1a: {  	[sflag:s11] =	ssyncset.done $0x0  }
0x1b: {  	p0 =	por $0x1, $0x1;
	s15 =	simm.s32 $0x0;
	[sflag:s11] =	ssyncadd.s32 $0xFFFFFE00  }
.LBB2_2:
0x1c: {  	v1 =	vld [tilespmem:s15+$0x400]  }
0x1d: {  	v2 =	vld [tilespmem:s15+$0x600]  }
0x1e: {  	v3 =	vld [tilespmem:s15+$0x410]  }
0x1f: {  	v4 =	vld [tilespmem:s15+$0x610];
	_ =	sdelay $0x3  }
0x20: {  	v1 =	vshll.u32 v1, $0x4;
	v2 =	vshll.u32 v2, $0x9  }
0x21: {  	v3 =	vshll.u32 v3, $0x4;
	v4 =	vshll.u32 v4, $0x9;
	v2 =	vadd.s32 v1, v2  }
0x22: {  	v1 =	vand.u32 $0x70, v1;
	v4 =	vadd.s32 v3, v4;
	v2 =	vand.u32 $0xFFFFFF80, v2  }
0x23: {  	v3 =	vand.u32 $0x70, v3;
	v4 =	vand.u32 $0xFFFFFF80, v4;
	v1 =	vor.u32 v1, v2  }
0x24: {  	v3 =	vor.u32 v3, v4  }
0x25: {  	v11 =	vld [tilespmem:s15+$0x420]  }
0x26: {  	s16 =	sor.u32 $0x10, s15;
	v15 =	vld [tilespmem:s15+$0x630];
	v2 =	vmov s15  }
0x27: {  	v17 =	vld [tilespmem:s15+$0x640];
	v23 =	vmov s16;
	v2 =	vshll.u32 v2, $0x7  }
0x28: {  	v4 =	vshll.u32 v23, $0x7;
	v2 =	vor.u32 v0, v2;
	v5 =	vld.idx.msk [tilespmem:v1+s3+$0x0], $0xffff  }
0x29: {  	v6 =	vor.u32 $0x1, v1;
	v4 =	vor.u32 v0, v4;
	v8 =	vld.idx.msk [tilespmem:v3+s3+$0x0], $0xffff  }
0x2a: {  	v18 =	vld [tilespmem:s15+$0x450];
	v9 =	vor.u32 $0x1, v3  }
0x2b: {  	v20 =	vld [tilespmem:s15+$0x460]  }
0x2c: {  	v36 =	vld [tilespmem:s15+$0x660]  }
0x2d: {  	s25 =	sor.u32 $0x20, s15;
	v39 =	vld [tilespmem:s15+$0x670];
	[tilespmem:v2+s12+$0x0] =	vst.idx.msk $0xffff, v5  }
0x2e: {  	s26 =	sor.u32 $0x30, s15;
	v34 =	vmov s25;
	v24 =	vor.u32 $0x1, v2;
	[tilespmem:v4+s12+$0x0] =	vst.idx.msk $0xffff, v8;
	v5 =	vld.idx.msk [tilespmem:v6+s3+$0x0], $0xffff  }
0x2f: {  	s28 =	sor.u32 $0x40, s15;
	s29 =	sor.u32 $0x50, s15;
	v22 =	vmov s26;
	v7 =	vor.u32 $0x2, v1;
	v27 =	vor.u32 $0x1, v4;
	v8 =	vld.idx.msk [tilespmem:v9+s3+$0x0], $0xffff  }
0x30: {  	v28 =	vld [tilespmem:s15+$0x620];
	s30 =	sor.u32 $0x60, s15;
	s31 =	sor.u32 $0x70, s15;
	v41 =	vmov s28;
	v53 =	vmov s29;
	v10 =	vor.u32 $0x2, v3  }
0x31: {  	v33 =	vld [tilespmem:s15+$0x440];
	v56 =	vmov s30;
	v59 =	vmov s31;
	v15 =	vshll.u32 v15, $0x9  }
0x32: {  	v35 =	vld [tilespmem:s15+$0x650];
	v38 =	vshll.u32 v17, $0x9;
	v43 =	vshll.u32 v20, $0x4;
	v44 =	vshll.u32 v36, $0x9  }
0x33: {  	v40 =	vshll.u32 v18, $0x4;
	v47 =	vshll.u32 v39, $0x9;
	v45 =	vadd.s32 v43, v44;
	v23 =	vld [tilespmem:s15+$0x470];
	[tilespmem:v24+s12+$0x0] =	vst.idx.msk $0xffff, v5  }
0x34: {  	v26 =	vor.u32 $0x3, v1;
	v31 =	vor.u32 $0x4, v1;
	v25 =	vor.u32 $0x2, v2;
	[tilespmem:v27+s12+$0x0] =	vst.idx.msk $0xffff, v8;
	v5 =	vld.idx.msk [tilespmem:v7+s3+$0x0], $0xffff  }
0x35: {  	v14 =	vor.u32 $0x3, v3;
	v13 =	vor.u32 $0x2, v4;
	v30 =	vor.u32 $0x3, v2;
	v29 =	vld.idx.msk [tilespmem:v10+s3+$0x0], $0xffff  }
0x36: {  	v32 =	vld [tilespmem:s15+$0x430];
	v12 =	vor.u32 $0x4, v2;
	v1 =	vshll.u32 v11, $0x4;
	v2 =	vshll.u32 v28, $0x9  }
0x37: {  	v16 =	vor.u32 $0x3, v4;
	v3 =	vor.u32 $0x4, v3;
	v2 =	vadd.s32 v1, v2  }
0x38: {  	v11 =	vshll.u32 v34, $0x7;
	v1 =	vand.u32 $0x70, v1;
	v2 =	vand.u32 $0xFFFFFF80, v2  }
0x39: {  	v2 =	vor.u32 v1, v2;
	v1 =	vor.u32 v0, v11;
	v11 =	vshll.u32 v35, $0x9;
	[tilespmem:v25+s12+$0x0] =	vst.idx.msk $0xffff, v5  }
0x3a: {  	v46 =	vshll.u32 v23, $0x4;
	v11 =	vadd.s32 v40, v11;
	v5 =	vshll.u32 v33, $0x4;
	[tilespmem:v13+s12+$0x0] =	vst.idx.msk $0xffff, v29;
	v6 =	vld.idx.msk [tilespmem:v26+s3+$0x0], $0xffff  }
0x3b: {  	v10 =	vshll.u32 v32, $0x4;
	v37 =	vand.u32 $0x70, v5;
	v14 =	vld.idx.msk [tilespmem:v14+s3+$0x0], $0xffff;
	v5 =	vadd.s32 v5, v38  }
0x3c: {  	v21 =	vand.u32 $0x70, v10;
	v10 =	vadd.s32 v10, v15;
	v5 =	vand.u32 $0xFFFFFF80, v5  }
0x3d: {  	v10 =	vand.u32 $0xFFFFFF80, v10;
	v13 =	vadd.s32 v46, v47;
	v5 =	vor.u32 v37, v5  }
0x3e: {  	v8 =	vand.u32 $0x70, v46;
	v7 =	vor.u32 v21, v10;
	v48 =	vand.u32 $0xFFFFFF80, v13  }
0x3f: {  	v42 =	vand.u32 $0x70, v40;
	v11 =	vand.u32 $0xFFFFFF80, v11;
	v49 =	vld.idx.msk [tilespmem:v2+s3+$0x0], $0xffff;
	v8 =	vor.u32 v8, v48;
	[tilespmem:v30+s12+$0x0] =	vst.idx.msk $0xffff, v6  }
0x40: {  	v10 =	vor.u32 v42, v11;
	v11 =	vand.u32 $0x70, v43;
	[tilespmem:v16+s12+$0x0] =	vst.idx.msk $0xffff, v14;
	v6 =	vand.u32 $0xFFFFFF80, v45;
	v9 =	vld.idx.msk [tilespmem:v31+s3+$0x0], $0xffff  }
0x41: {  	v50 =	vshll.u32 v41, $0x7;
	v4 =	vor.u32 $0x4, v4;
	v3 =	vld.idx.msk [tilespmem:v3+s3+$0x0], $0xffff;
	v6 =	vor.u32 v11, v6  }
0x42: {  	v22 =	vshll.u32 v22, $0x7;
	v19 =	vor.u32 $0x1, v2;
	v15 =	vor.u32 v0, v50;
	v54 =	vld.idx.msk [tilespmem:v5+s3+$0x0], $0xffff  }
0x43: {  	v21 =	vshll.u32 v59, $0x7;
	v51 =	vld.idx.msk [tilespmem:v7+s3+$0x0], $0xffff;
	v55 =	vor.u32 $0x1, v5;
	v14 =	vor.u32 v0, v22  }
0x44: {  	v17 =	vshll.u32 v53, $0x7;
	v52 =	vor.u32 $0x1, v7;
	v21 =	vor.u32 v0, v21;
	[tilespmem:v1+s12+$0x0] =	vst.idx.msk $0xffff, v49;
	v62 =	vld.idx.msk [tilespmem:v8+s3+$0x0], $0xffff  }
0x45: {  	v58 =	vshll.u32 v56, $0x7;
	v57 =	vld.idx.msk [tilespmem:v10+s3+$0x0], $0xffff;
	v30 =	vor.u32 $0x1, v8;
	[tilespmem:v12+s12+$0x0] =	vst.idx.msk $0xffff, v9;
	v12 =	vor.u32 v0, v17  }
0x46: {  	[tilespmem:v4+s12+$0x0] =	vst.idx.msk $0xffff, v3;
	v3 =	vor.u32 $0x1, v10;
	v60 =	vld.idx.msk [tilespmem:v6+s3+$0x0], $0xffff;
	v17 =	vor.u32 v0, v58  }
0x47: {  	v63 =	vor.u32 $0x1, v1;
	v19 =	vld.idx.msk [tilespmem:v19+s3+$0x0], $0xffff;
	v61 =	vor.u32 $0x1, v6;
	[tilespmem:v15+s12+$0x0] =	vst.idx.msk $0xffff, v54  }
0x48: {  	v24 =	vor.u32 $0x2, v2;
	v26 =	vor.u32 $0x1, v15;
	[tilespmem:v14+s12+$0x0] =	vst.idx.msk $0xffff, v51;
	v20 =	vld.idx.msk [tilespmem:v55+s3+$0x0], $0xffff  }
0x49: {  	v32 =	vor.u32 $0x2, v5;
	v25 =	vor.u32 $0x1, v14;
	v16 =	vld.idx.msk [tilespmem:v52+s3+$0x0], $0xffff;
	[tilespmem:v21+s12+$0x0] =	vst.idx.msk $0xffff, v62  }
0x4a: {  	v36 =	vor.u32 $0x1, v21;
	v31 =	vor.u32 $0x2, v7;
	v11 =	vld.idx.msk [tilespmem:v30+s3+$0x0], $0xffff;
	[tilespmem:v12+s12+$0x0] =	vst.idx.msk $0xffff, v57  }
0x4b: {  	v38 =	vor.u32 $0x2, v8;
	v27 =	vor.u32 $0x1, v12;
	[tilespmem:v17+s12+$0x0] =	vst.idx.msk $0xffff, v60;
	v3 =	vld.idx.msk [tilespmem:v3+s3+$0x0], $0xffff  }
0x4c: {  	v33 =	vor.u32 $0x2, v10;
	[tilespmem:v63+s12+$0x0] =	vst.idx.msk $0xffff, v19;
	v34 =	vor.u32 $0x1, v17;
	v13 =	vld.idx.msk [tilespmem:v61+s3+$0x0], $0xffff  }
0x4d: {  	v37 =	vor.u32 $0x2, v1;
	v35 =	vor.u32 $0x2, v6;
	v24 =	vld.idx.msk [tilespmem:v24+s3+$0x0], $0xffff;
	[tilespmem:v26+s12+$0x0] =	vst.idx.msk $0xffff, v20  }
0x4e: {  	v39 =	vor.u32 $0x3, v2;
	v41 =	vor.u32 $0x2, v15;
	[tilespmem:v25+s12+$0x0] =	vst.idx.msk $0xffff, v16;
	v9 =	vld.idx.msk [tilespmem:v32+s3+$0x0], $0xffff  }
0x4f: {  	v42 =	vor.u32 $0x3, v5;
	v40 =	vor.u32 $0x2, v14;
	v18 =	vld.idx.msk [tilespmem:v31+s3+$0x0], $0xffff;
	[tilespmem:v36+s12+$0x0] =	vst.idx.msk $0xffff, v11  }
0x50: {  	v48 =	vor.u32 $0x2, v21;
	v47 =	vld.idx.msk [tilespmem:v38+s3+$0x0], $0xffff;
	[tilespmem:v27+s12+$0x0] =	vst.idx.msk $0xffff, v3;
	v3 =	vor.u32 $0x3, v7  }
0x51: {  	v43 =	vor.u32 $0x2, v12;
	[tilespmem:v34+s12+$0x0] =	vst.idx.msk $0xffff, v13;
	v4 =	vld.idx.msk [tilespmem:v33+s3+$0x0], $0xffff  }
0x52: {  	v44 =	vor.u32 $0x3, v10;
	v45 =	vor.u32 $0x2, v17;
	[tilespmem:v37+s12+$0x0] =	vst.idx.msk $0xffff, v24;
	v19 =	vld.idx.msk [tilespmem:v35+s3+$0x0], $0xffff  }
0x53: {  	v49 =	vor.u32 $0x3, v1;
	v46 =	vor.u32 $0x3, v6;
	v20 =	vld.idx.msk [tilespmem:v39+s3+$0x0], $0xffff;
	[tilespmem:v41+s12+$0x0] =	vst.idx.msk $0xffff, v9  }
0x54: {  	v50 =	vor.u32 $0x3, v8;
	v54 =	vor.u32 $0x3, v15;
	[tilespmem:v40+s12+$0x0] =	vst.idx.msk $0xffff, v18;
	v53 =	vld.idx.msk [tilespmem:v42+s3+$0x0], $0xffff  }
0x55: {  	v2 =	vor.u32 $0x4, v2;
	v51 =	vor.u32 $0x3, v14;
	[tilespmem:v48+s12+$0x0] =	vst.idx.msk $0xffff, v47;
	v3 =	vld.idx.msk [tilespmem:v3+s3+$0x0], $0xffff  }
0x56: {  	v5 =	vor.u32 $0x4, v5;
	[tilespmem:v43+s12+$0x0] =	vst.idx.msk $0xffff, v4  }
0x57: {  	v52 =	vor.u32 $0x4, v7;
	v55 =	vor.u32 $0x3, v12;
	[tilespmem:v45+s12+$0x0] =	vst.idx.msk $0xffff, v19;
	v11 =	vld.idx.msk [tilespmem:v44+s3+$0x0], $0xffff  }
0x58: {  	v10 =	vor.u32 $0x4, v10;
	v56 =	vor.u32 $0x3, v17;
	[tilespmem:v49+s12+$0x0] =	vst.idx.msk $0xffff, v20;
	v16 =	vld.idx.msk [tilespmem:v46+s3+$0x0], $0xffff  }
0x59: {  	v6 =	vor.u32 $0x4, v6;
	v58 =	vor.u32 $0x3, v21;
	v57 =	vld.idx.msk [tilespmem:v50+s3+$0x0], $0xffff;
	[tilespmem:v54+s12+$0x0] =	vst.idx.msk $0xffff, v53  }
0x5a: {  	v1 =	vor.u32 $0x4, v1;
	v2 =	vld.idx.msk [tilespmem:v2+s3+$0x0], $0xffff;
	[tilespmem:v51+s12+$0x0] =	vst.idx.msk $0xffff, v3;
	v3 =	vor.u32 $0x4, v8  }
0x5b: {  	v60 =	vor.u32 $0x4, v15;
	v5 =	vld.idx.msk [tilespmem:v5+s3+$0x0], $0xffff  }
0x5c: {  	v59 =	vor.u32 $0x4, v14;
	v4 =	vld.idx.msk [tilespmem:v52+s3+$0x0], $0xffff;
	[tilespmem:v55+s12+$0x0] =	vst.idx.msk $0xffff, v11  }
0x5d: {  	v62 =	vor.u32 $0x4, v12;
	[tilespmem:v56+s12+$0x0] =	vst.idx.msk $0xffff, v16;
	v61 =	vld.idx.msk [tilespmem:v10+s3+$0x0], $0xffff  }
0x5e: {  	v63 =	vor.u32 $0x4, v17;
	[tilespmem:v58+s12+$0x0] =	vst.idx.msk $0xffff, v57;
	v6 =	vld.idx.msk [tilespmem:v6+s3+$0x0], $0xffff  }
0x5f: {  	p1 =	por p0, p0;
	[tilespmem:v1+s12+$0x0] =	vst.idx.msk $0xffff, v2;
	v2 =	vor.u32 $0x4, v21;
	v1 =	vld.idx.msk [tilespmem:v3+s3+$0x0], $0xffff  }
.Ltmp0:
0x60: {  	[tilespmem:v60+s12+$0x0] =	vst.idx.msk $0xffff, v5;
	(pc) =	sbr.rel @p1 .LBB2_2-.Ltmp0, $4  }
0x61: {  	[tilespmem:v59+s12+$0x0] =	vst.idx.msk $0xffff, v4  }
0x62: {  	[tilespmem:v62+s12+$0x0] =	vst.idx.msk $0xffff, v61  }
0x63: {  	[tilespmem:v63+s12+$0x0] =	vst.idx.msk $0xffff, v6  }
0x64: {  	p0 =	por $0x0, $0x0;
	s15 =	simm.s32 $0x80;
	[tilespmem:v2+s12+$0x0] =	vst.idx.msk $0xffff, v1  }
0x65: {  	[hbm4b:s6+s3] =	stream.linear.scatter [tilespmem:s12], [sflag:$0x1], $0x8000, $0x38;
	[tilespmem:$0x10800] =	vst v63  }
0x66: {  	s17 =	simm.s32 $0x570  }
0x67: {  	s15 =	simm.s32 $0x770;
	v1 =	vld [tilespmem:s17+$0x0]  }
0x68: {  	v2 =	vld [tilespmem:s15+$0x0]  }
0x69: {  	v3 =	vld [tilespmem:s17+$0xFFFFFF90]  }
0x6a: {  	v4 =	vld [tilespmem:s15+$0xFFFFFF90]  }
0x6b: {  	v5 =	vld [tilespmem:s17+$0xFFFFFFA0]  }
0x6c: {  	s16 =	simm.s32 $0x170;
	v8 =	vld [tilespmem:s15+$0xFFFFFFB0]  }
0x6d: {  	v9 =	vld [tilespmem:s17+$0xFFFFFFC0];
	v13 =	vmov s16  }
0x6e: {  	v6 =	vld [tilespmem:s15+$0xFFFFFFA0];
	v13 =	vshll.u32 v13, $0x7  }
0x6f: {  	v7 =	vld [tilespmem:s17+$0xFFFFFFB0];
	v1 =	vshll.u32 v1, $0x4;
	v2 =	vshll.u32 v2, $0x9;
	v3 =	vshll.u32 v3, $0x4  }
0x70: {  	v10 =	vld [tilespmem:s15+$0xFFFFFFC0];
	v4 =	vshll.u32 v4, $0x9;
	v5 =	vshll.u32 v5, $0x4;
	v2 =	vadd.s32 v1, v2  }
0x71: {  	v8 =	vshll.u32 v8, $0x9;
	v1 =	vand.u32 $0x70, v1;
	v2 =	vand.u32 $0xFFFFFF80, v2  }
0x72: {  	v12 =	vld [tilespmem:s17+$0xFFFFFFE0];
	v9 =	vshll.u32 v9, $0x4;
	v4 =	vadd.s32 v3, v4;
	v11 =	vor.u32 v1, v2  }
0x73: {  	v1 =	vand.u32 $0x70, v3;
	v2 =	vand.u32 $0xFFFFFF80, v4;
	v3 =	vshll.u32 v6, $0x9;
	v4 =	vld [tilespmem:s17+$0xFFFFFFD0]  }
0x74: {  	v6 =	vand.u32 $0x70, v5;
	v3 =	vadd.s32 v5, v3;
	v5 =	vshll.u32 v7, $0x4;
	v7 =	vld [tilespmem:s15+$0xFFFFFFD0]  }
0x75: {  	v10 =	vshll.u32 v10, $0x9;
	v14 =	vand.u32 $0x70, v5;
	v5 =	vadd.s32 v5, v8;
	v8 =	vld [tilespmem:s15+$0xFFFFFFE0]  }
0x76: {  	v16 =	vld [tilespmem:s17+$0xFFFFFFF0];
	v13 =	vor.u32 v0, v13;
	v10 =	vadd.s32 v9, v10  }
0x77: {  	v18 =	vld [tilespmem:s15+$0xFFFFFFF0];
	v12 =	vshll.u32 v12, $0x4;
	v9 =	vand.u32 $0x70, v9;
	v10 =	vand.u32 $0xFFFFFF80, v10  }
0x78: {  	v17 =	vor.u32 $0x1, v11;
	v1 =	vor.u32 v1, v2;
	v3 =	vand.u32 $0xFFFFFF80, v3;
	v15 =	vld.idx.msk [tilespmem:v11+s3+$0x0], $0xffff  }
0x79: {  	v5 =	vand.u32 $0xFFFFFF80, v5;
	v4 =	vshll.u32 v4, $0x4;
	v7 =	vshll.u32 v7, $0x9  }
0x7a: {  	v19 =	vand.u32 $0x70, v4;
	v7 =	vadd.s32 v4, v7;
	v4 =	vshll.u32 v8, $0x9  }
0x7b: {  	v2 =	vor.u32 v6, v3;
	v3 =	vor.u32 v14, v5;
	v4 =	vadd.s32 v12, v4  }
0x7c: {  	v8 =	vand.u32 $0x70, v12;
	v7 =	vand.u32 $0xFFFFFF80, v7;
	v6 =	vand.u32 $0xFFFFFF80, v4  }
0x7d: {  	v4 =	vshll.u32 v16, $0x4;
	v16 =	vshll.u32 v18, $0x9;
	v5 =	vor.u32 v19, v7;
	[tilespmem:v13+s12+$0x0] =	vst.idx.msk $0xffff, v15  }
0x7e: {  	s28 =	simm.s32 $0x100;
	v15 =	vor.u32 $0x1, v13;
	v14 =	vand.u32 $0x70, v4;
	v16 =	vadd.s32 v4, v16;
	v12 =	vld.idx.msk [tilespmem:v17+s3+$0x0], $0xffff  }
0x7f: {  	s20 =	simm.s32 $0x130;
	v4 =	vor.u32 v9, v10;
	v9 =	vmov s28;
	v17 =	vor.u32 $0x2, v11  }
0x80: {  	s18 =	simm.s32 $0x110;
	v6 =	vor.u32 v8, v6;
	v7 =	vand.u32 $0xFFFFFF80, v16;
	v16 =	vmov s20  }
0x81: {  	s19 =	simm.s32 $0x120;
	v9 =	vshll.u32 v9, $0x7;
	v8 =	vor.u32 v14, v7;
	v7 =	vmov s18  }
0x82: {  	v10 =	vld.idx.msk [tilespmem:v1+s3+$0x0], $0xffff;
	v14 =	vmov s19;
	v22 =	vor.u32 v0, v9;
	v7 =	vshll.u32 v7, $0x7  }
0x83: {  	v18 =	vld.idx.msk [tilespmem:v2+s3+$0x0], $0xffff;
	v16 =	vshll.u32 v16, $0x7;
	v14 =	vshll.u32 v14, $0x7;
	v23 =	vor.u32 v0, v7;
	[tilespmem:v15+s12+$0x0] =	vst.idx.msk $0xffff, v12  }
0x84: {  	s30 =	simm.s32 $0x150;
	v25 =	vor.u32 v0, v16;
	v16 =	vor.u32 $0x1, v2;
	v15 =	vld.idx.msk [tilespmem:v17+s3+$0x0], $0xffff;
	v17 =	vor.u32 $0x2, v13  }
0x85: {  	s29 =	simm.s32 $0x140;
	v19 =	vmov s30;
	v9 =	vld.idx.msk [tilespmem:v3+s3+$0x0], $0xffff;
	v7 =	vor.u32 $0x3, v11;
	v24 =	vor.u32 v0, v14  }
0x86: {  	v19 =	vshll.u32 v19, $0x7;
	v20 =	vld.idx.msk [tilespmem:v4+s3+$0x0], $0xffff;
	v12 =	vmov s29  }
0x87: {  	v28 =	vor.u32 v0, v19;
	v14 =	vor.u32 $0x1, v1;
	v26 =	vld.idx.msk [tilespmem:v6+s3+$0x0], $0xffff;
	v12 =	vshll.u32 v12, $0x7;
	[tilespmem:v22+s12+$0x0] =	vst.idx.msk $0xffff, v10  }
0x88: {  	s31 =	simm.s32 $0x160;
	v19 =	vor.u32 $0x1, v4;
	v21 =	vld.idx.msk [tilespmem:v5+s3+$0x0], $0xffff;
	v27 =	vor.u32 v0, v12;
	[tilespmem:v23+s12+$0x0] =	vst.idx.msk $0xffff, v18  }
0x89: {  	v30 =	vor.u32 $0x1, v23;
	v12 =	vor.u32 $0x1, v3;
	v16 =	vld.idx.msk [tilespmem:v16+s3+$0x0], $0xffff;
	[tilespmem:v17+s12+$0x0] =	vst.idx.msk $0xffff, v15;
	v15 =	vmov s31  }
0x8a: {  	v32 =	vor.u32 $0x2, v2;
	v18 =	vor.u32 $0x3, v13;
	[tilespmem:v24+s12+$0x0] =	vst.idx.msk $0xffff, v9;
	v10 =	vshll.u32 v15, $0x7;
	v7 =	vld.idx.msk [tilespmem:v7+s3+$0x0], $0xffff  }
0x8b: {  	[tilespmem:v25+s12+$0x0] =	vst.idx.msk $0xffff, v20;
	v17 =	vld.idx.msk [tilespmem:v8+s3+$0x0], $0xffff;
	v15 =	vor.u32 $0x1, v5;
	v29 =	vor.u32 v0, v10  }
0x8c: {  	v9 =	vor.u32 $0x4, v11;
	v11 =	vor.u32 $0x1, v22;
	[tilespmem:v28+s12+$0x0] =	vst.idx.msk $0xffff, v26;
	v10 =	vld.idx.msk [tilespmem:v14+s3+$0x0], $0xffff  }
0x8d: {  	v19 =	vld.idx.msk [tilespmem:v19+s3+$0x0], $0xffff;
	[tilespmem:v27+s12+$0x0] =	vst.idx.msk $0xffff, v21;
	v14 =	vor.u32 $0x1, v6  }
0x8e: {  	v20 =	vor.u32 $0x1, v8;
	v26 =	vor.u32 $0x1, v25;
	v12 =	vld.idx.msk [tilespmem:v12+s3+$0x0], $0xffff;
	[tilespmem:v30+s12+$0x0] =	vst.idx.msk $0xffff, v16  }
0x8f: {  	v31 =	vor.u32 $0x2, v1;
	v21 =	vor.u32 $0x1, v24;
	v32 =	vld.idx.msk [tilespmem:v32+s3+$0x0], $0xffff;
	[tilespmem:v18+s12+$0x0] =	vst.idx.msk $0xffff, v7  }
0x90: {  	v15 =	vld.idx.msk [tilespmem:v15+s3+$0x0], $0xffff;
	v7 =	vor.u32 $0x1, v27;
	v18 =	vor.u32 $0x2, v3;
	[tilespmem:v29+s12+$0x0] =	vst.idx.msk $0xffff, v17  }
0x91: {  	v9 =	vld.idx.msk [tilespmem:v9+s3+$0x0], $0xffff;
	v17 =	vor.u32 $0x2, v4;
	[tilespmem:v11+s12+$0x0] =	vst.idx.msk $0xffff, v10;
	v11 =	vor.u32 $0x4, v13  }
0x92: {  	v10 =	vld.idx.msk [tilespmem:v14+s3+$0x0], $0xffff;
	v13 =	vor.u32 $0x1, v28;
	v14 =	vor.u32 $0x2, v5  }
0x93: {  	v61 =	vor.u32 $0x2, v6;
	[tilespmem:v26+s12+$0x0] =	vst.idx.msk $0xffff, v19;
	v16 =	vld.idx.msk [tilespmem:v20+s3+$0x0], $0xffff;
	v20 =	vor.u32 $0x1, v29  }
0x94: {  	[tilespmem:v21+s12+$0x0] =	vst.idx.msk $0xffff, v12;
	v12 =	vor.u32 $0x2, v8;
	v21 =	vor.u32 $0x2, v22;
	v31 =	vld.idx.msk [tilespmem:v31+s3+$0x0], $0xffff  }
0x95: {  	v19 =	vor.u32 $0x2, v23;
	v26 =	vor.u32 $0x3, v1;
	v18 =	vld.idx.msk [tilespmem:v18+s3+$0x0], $0xffff;
	[tilespmem:v7+s12+$0x0] =	vst.idx.msk $0xffff, v15  }
0x96: {  	v7 =	vor.u32 $0x2, v24;
	v15 =	vor.u32 $0x3, v2;
	v17 =	vld.idx.msk [tilespmem:v17+s3+$0x0], $0xffff;
	[tilespmem:v11+s12+$0x0] =	vst.idx.msk $0xffff, v9  }
0x97: {  	v9 =	vor.u32 $0x2, v25;
	v11 =	vor.u32 $0x3, v3;
	v33 =	vld.idx.msk [tilespmem:v14+s3+$0x0], $0xffff;
	[tilespmem:v13+s12+$0x0] =	vst.idx.msk $0xffff, v10  }
0x98: {  	v34 =	vor.u32 $0x3, v4;
	v10 =	vor.u32 $0x2, v27;
	v30 =	vld.idx.msk [tilespmem:v61+s3+$0x0], $0xffff;
	[tilespmem:v20+s12+$0x0] =	vst.idx.msk $0xffff, v16  }
0x99: {  	v36 =	vor.u32 $0x3, v5;
	v35 =	vor.u32 $0x2, v28;
	[tilespmem:v21+s12+$0x0] =	vst.idx.msk $0xffff, v31;
	v62 =	vld.idx.msk [tilespmem:v12+s3+$0x0], $0xffff  }
0x9a: {  	v42 =	vor.u32 $0x4, v1;
	v38 =	vor.u32 $0x3, v6;
	v37 =	vor.u32 $0x2, v29;
	[tilespmem:v19+s12+$0x0] =	vst.idx.msk $0xffff, v32;
	v26 =	vld.idx.msk [tilespmem:v26+s3+$0x0], $0xffff  }
0x9b: {  	v39 =	vor.u32 $0x3, v8;
	v63 =	vor.u32 $0x3, v22;
	v40 =	vor.u32 $0x3, v23;
	v41 =	vld.idx.msk [tilespmem:v15+s3+$0x0], $0xffff;
	[tilespmem:v7+s12+$0x0] =	vst.idx.msk $0xffff, v18  }
0x9c: {  	v1 =	vor.u32 $0x4, v29;
	v13 =	vor.u32 $0x3, v27;
	v14 =	vor.u32 $0x3, v28;
	v19 =	vld.idx.msk [tilespmem:v11+s3+$0x0], $0xffff;
	[tilespmem:v9+s12+$0x0] =	vst.idx.msk $0xffff, v17  }
0x9d: {  	v16 =	vor.u32 $0x3, v24;
	v12 =	vor.u32 $0x4, v3;
	v3 =	vor.u32 $0x4, v25;
	[tilespmem:v10+s12+$0x0] =	vst.idx.msk $0xffff, v33;
	v20 =	vld.idx.msk [tilespmem:v34+s3+$0x0], $0xffff  }
0x9e: {  	v18 =	vor.u32 $0x3, v25;
	v15 =	vor.u32 $0x4, v22;
	v7 =	vor.u32 $0x4, v6;
	v21 =	vld.idx.msk [tilespmem:v36+s3+$0x0], $0xffff;
	[tilespmem:v35+s12+$0x0] =	vst.idx.msk $0xffff, v30  }
0x9f: {  	v6 =	vor.u32 $0x4, v24;
	v11 =	vor.u32 $0x4, v2;
	v17 =	vor.u32 $0x3, v29;
	v22 =	vld.idx.msk [tilespmem:v38+s3+$0x0], $0xffff;
	[tilespmem:v37+s12+$0x0] =	vst.idx.msk $0xffff, v62  }
0xa0: {  	v9 =	vor.u32 $0x4, v5;
	v5 =	vor.u32 $0x4, v8;
	v8 =	vor.u32 $0x4, v23;
	[tilespmem:v63+s12+$0x0] =	vst.idx.msk $0xffff, v26;
	v23 =	vld.idx.msk [tilespmem:v39+s3+$0x0], $0xffff  }
0xa1: {  	s17 =	simm.s32 $0x10;
	s18 =	simm.s32 $0x5F0;
	v10 =	vor.u32 $0x4, v4;
	v4 =	vor.u32 $0x4, v27;
	v2 =	vor.u32 $0x4, v28;
	v24 =	vld.idx.msk [tilespmem:v42+s3+$0x0], $0xffff;
	[tilespmem:v40+s12+$0x0] =	vst.idx.msk $0xffff, v41  }
.LBB2_4:
0xa2: {  	v25 =	vld [tilespmem:s18+$0x0];
	[tilespmem:v16+s12+$0x0] =	vst.idx.msk $0xffff, v19;
	s15 =	sadd.s32 $0x80, s15  }
0xa3: {  	s17 =	sadd.s32 $0x8, s17;
	v16 =	vld [tilespmem:s15+$0x0];
	[tilespmem:v18+s12+$0x0] =	vst.idx.msk $0xffff, v20  }
0xa4: {  	p0 =	slt.u32 s17, $0x18;
	v18 =	vld [tilespmem:s18+$0xFFFFFF90];
	[tilespmem:v13+s12+$0x0] =	vst.idx.msk $0xffff, v21  }
0xa5: {  	v13 =	vld [tilespmem:s15+$0xFFFFFF90];
	[tilespmem:v14+s12+$0x0] =	vst.idx.msk $0xffff, v22  }
0xa6: {  	v14 =	vld [tilespmem:s18+$0xFFFFFFA0];
	[tilespmem:v17+s12+$0x0] =	vst.idx.msk $0xffff, v23  }
0xa7: {  	v17 =	vld [tilespmem:s15+$0xFFFFFFA0];
	[tilespmem:v15+s12+$0x0] =	vst.idx.msk $0xffff, v24  }
0xa8: {  	v19 =	vshll.u32 v25, $0x4;
	v15 =	vld [tilespmem:s18+$0xFFFFFFB0];
	v16 =	vshll.u32 v16, $0x9  }
0xa9: {  	v18 =	vshll.u32 v18, $0x4;
	v20 =	vld [tilespmem:s15+$0xFFFFFFB0];
	v16 =	vadd.s32 v19, v16  }
0xaa: {  	v19 =	vand.u32 $0x70, v19;
	v13 =	vshll.u32 v13, $0x9;
	v21 =	vld [tilespmem:s18+$0xFFFFFFC0];
	v16 =	vand.u32 $0xFFFFFF80, v16  }
0xab: {  	v22 =	vadd.s32 v18, v13;
	v14 =	vshll.u32 v14, $0x4;
	v23 =	vld [tilespmem:s15+$0xFFFFFFC0];
	v13 =	vor.u32 v19, v16  }
0xac: {  	v16 =	vand.u32 $0x70, v18;
	v18 =	vand.u32 $0xFFFFFF80, v22;
	v17 =	vshll.u32 v17, $0x9;
	v19 =	vld [tilespmem:s18+$0xFFFFFFD0]  }
0xad: {  	v22 =	vand.u32 $0x70, v14;
	v14 =	vadd.s32 v14, v17;
	v15 =	vshll.u32 v15, $0x4;
	v17 =	vld [tilespmem:s15+$0xFFFFFFD0]  }
0xae: {  	s16 =	sadd.s32 $0x80, s16;
	v24 =	vand.u32 $0xFFFFFF80, v14;
	v25 =	vand.u32 $0x70, v15;
	v14 =	vshll.u32 v20, $0x9;
	v20 =	vld [tilespmem:s18+$0xFFFFFFE0]  }
0xaf: {  	s20 =	sadd.s32 $0xFFFFFFA0, s16;
	s19 =	sadd.s32 $0xFFFFFFB0, s16;
	s21 =	sadd.s32 $0xFFFFFFC0, s16;
	v26 =	vmov s16;
	v14 =	vadd.s32 v15, v14;
	v15 =	vshll.u32 v21, $0x4;
	v21 =	vld [tilespmem:s15+$0xFFFFFFE0]  }
0xb0: {  	s22 =	sadd.s32 $0xFFFFFFD0, s16;
	s23 =	sadd.s32 $0xFFFFFFE0, s16;
	s24 =	sadd.s32 $0xFFFFFFF0, s16;
	v27 =	vand.u32 $0xFFFFFF80, v14;
	v14 =	vshll.u32 v23, $0x9;
	v23 =	vshll.u32 v26, $0x7;
	v26 =	vld.idx.msk [tilespmem:v13+s3+$0x0], $0xffff  }
0xb1: {  	s25 =	sadd.s32 $0xFFFFFF90, s16;
	v28 =	vadd.s32 v15, v14;
	v19 =	vshll.u32 v19, $0x4;
	v29 =	vld [tilespmem:s18+$0xFFFFFFF0];
	v14 =	vor.u32 v0, v23  }
0xb2: {  	v30 =	vor.u32 $0x1, v13;
	v23 =	vand.u32 $0xFFFFFF80, v28;
	v17 =	vshll.u32 v17, $0x9;
	v28 =	vld [tilespmem:s15+$0xFFFFFFF0]  }
0xb3: {  	v15 =	vand.u32 $0x70, v15;
	v17 =	vadd.s32 v19, v17;
	v20 =	vshll.u32 v20, $0x4;
	v31 =	vld.idx.msk [tilespmem:v11+s3+$0x0], $0xffff  }
0xb4: {  	v19 =	vand.u32 $0x70, v19;
	v17 =	vand.u32 $0xFFFFFF80, v17;
	v21 =	vshll.u32 v21, $0x9;
	v12 =	vld.idx.msk [tilespmem:v12+s3+$0x0], $0xffff  }
0xb5: {  	v11 =	vor.u32 v16, v18;
	v16 =	vand.u32 $0x70, v20;
	v18 =	vadd.s32 v20, v21;
	v20 =	vld.idx.msk [tilespmem:v10+s3+$0x0], $0xffff  }
0xb6: {  	v10 =	vor.u32 v22, v24;
	v18 =	vand.u32 $0xFFFFFF80, v18;
	v21 =	vshll.u32 v29, $0x4;
	[tilespmem:v14+s12+$0x0] =	vst.idx.msk $0xffff, v26;
	v22 =	vld.idx.msk [tilespmem:v9+s3+$0x0], $0xffff  }
0xb7: {  	v9 =	vor.u32 v25, v27;
	v24 =	vand.u32 $0x70, v21;
	v25 =	vshll.u32 v28, $0x9;
	v26 =	vld.idx.msk [tilespmem:v30+s3+$0x0], $0xffff  }
0xb8: {  	v15 =	vor.u32 v15, v23;
	v23 =	vor.u32 $0x1, v14;
	v21 =	vadd.s32 v21, v25;
	v25 =	vld.idx.msk [tilespmem:v7+s3+$0x0], $0xffff  }
0xb9: {  	v7 =	vor.u32 v19, v17;
	v19 =	vor.u32 $0x2, v13;
	v17 =	vand.u32 $0xFFFFFF80, v21;
	[tilespmem:v8+s12+$0x0] =	vst.idx.msk $0xffff, v31;
	v21 =	vld.idx.msk [tilespmem:v5+s3+$0x0], $0xffff  }
0xba: {  	v27 =	vmov s25;
	v5 =	vor.u32 v16, v18;
	v28 =	vld.idx.msk [tilespmem:v11+s3+$0x0], $0xffff;
	v8 =	vor.u32 v24, v17;
	[tilespmem:v6+s12+$0x0] =	vst.idx.msk $0xffff, v12  }
0xbb: {  	v16 =	vmov s19;
	v6 =	vmov s20;
	v17 =	vmov s21;
	v12 =	vld.idx.msk [tilespmem:v10+s3+$0x0], $0xffff  }
0xbc: {  	v29 =	vmov s23;
	v30 =	vmov s24;
	v24 =	vmov s22;
	v18 =	vld.idx.msk [tilespmem:v9+s3+$0x0], $0xffff  }
0xbd: {  	v27 =	vshll.u32 v27, $0x7;
	v16 =	vshll.u32 v16, $0x7;
	v6 =	vshll.u32 v6, $0x7;
	v31 =	vld.idx.msk [tilespmem:v15+s3+$0x0], $0xffff;
	[tilespmem:v23+s12+$0x0] =	vst.idx.msk $0xffff, v26  }
0xbe: {  	v17 =	vshll.u32 v17, $0x7;
	v23 =	vshll.u32 v24, $0x7;
	v24 =	vshll.u32 v29, $0x7;
	v19 =	vld.idx.msk [tilespmem:v19+s3+$0x0], $0xffff;
	[tilespmem:v3+s12+$0x0] =	vst.idx.msk $0xffff, v20  }
0xbf: {  	v26 =	vshll.u32 v30, $0x7;
	v3 =	vor.u32 v0, v27;
	v27 =	vor.u32 $0x2, v14;
	v20 =	vld.idx.msk [tilespmem:v7+s3+$0x0], $0xffff;
	[tilespmem:v4+s12+$0x0] =	vst.idx.msk $0xffff, v22  }
0xc0: {  	v4 =	vor.u32 v0, v6;
	v6 =	vor.u32 v0, v16;
	v22 =	vor.u32 $0x3, v13;
	v16 =	vld.idx.msk [tilespmem:v5+s3+$0x0], $0xffff  }
0xc1: {  	v29 =	vor.u32 v0, v17;
	v23 =	vor.u32 v0, v23;
	v24 =	vor.u32 v0, v24;
	v17 =	vld.idx.msk [tilespmem:v8+s3+$0x0], $0xffff  }
0xc2: {  	v32 =	vor.u32 $0x1, v10;
	v30 =	vor.u32 $0x1, v11;
	v26 =	vor.u32 v0, v26;
	[tilespmem:v2+s12+$0x0] =	vst.idx.msk $0xffff, v25  }
0xc3: {  	v33 =	vor.u32 $0x1, v7;
	v2 =	vor.u32 $0x1, v9;
	v25 =	vor.u32 $0x1, v15;
	[tilespmem:v1+s12+$0x0] =	vst.idx.msk $0xffff, v21  }
0xc4: {  	v34 =	vor.u32 $0x1, v8;
	v1 =	vor.u32 $0x1, v3;
	v21 =	vor.u32 $0x1, v5;
	[tilespmem:v27+s12+$0x0] =	vst.idx.msk $0xffff, v19  }
0xc5: {  	v19 =	vor.u32 $0x1, v4;
	v27 =	vor.u32 $0x1, v6;
	[tilespmem:v3+s12+$0x0] =	vst.idx.msk $0xffff, v28;
	v28 =	vor.u32 $0x1, v29;
	v22 =	vld.idx.msk [tilespmem:v22+s3+$0x0], $0xffff  }
0xc6: {  	v36 =	vor.u32 $0x3, v14;
	v35 =	vor.u32 $0x1, v24;
	[tilespmem:v4+s12+$0x0] =	vst.idx.msk $0xffff, v12;
	v12 =	vor.u32 $0x1, v23  }
0xc7: {  	v37 =	vor.u32 $0x2, v11;
	v38 =	vor.u32 $0x1, v26;
	v13 =	vor.u32 $0x4, v13;
	v30 =	vld.idx.msk [tilespmem:v30+s3+$0x0], $0xffff;
	[tilespmem:v6+s12+$0x0] =	vst.idx.msk $0xffff, v18  }
0xc8: {  	v39 =	vor.u32 $0x2, v9;
	v18 =	vld.idx.msk [tilespmem:v32+s3+$0x0], $0xffff;
	v32 =	vor.u32 $0x2, v10;
	[tilespmem:v29+s12+$0x0] =	vst.idx.msk $0xffff, v31;
	v31 =	vor.u32 $0x2, v15  }
0xc9: {  	v40 =	vor.u32 $0x2, v5;
	v41 =	vor.u32 $0x2, v8;
	v2 =	vld.idx.msk [tilespmem:v2+s3+$0x0], $0xffff;
	[tilespmem:v23+s12+$0x0] =	vst.idx.msk $0xffff, v20;
	v20 =	vor.u32 $0x2, v7  }
0xca: {  	v42 =	vor.u32 $0x2, v3;
	v43 =	vor.u32 $0x2, v4;
	v44 =	vor.u32 $0x2, v6;
	v25 =	vld.idx.msk [tilespmem:v25+s3+$0x0], $0xffff;
	[tilespmem:v24+s12+$0x0] =	vst.idx.msk $0xffff, v16  }
0xcb: {  	v45 =	vor.u32 $0x2, v29;
	v46 =	vor.u32 $0x2, v23;
	v47 =	vor.u32 $0x2, v24;
	v33 =	vld.idx.msk [tilespmem:v33+s3+$0x0], $0xffff;
	[tilespmem:v36+s12+$0x0] =	vst.idx.msk $0xffff, v22  }
0xcc: {  	v48 =	vor.u32 $0x2, v26;
	v22 =	vor.u32 $0x3, v11;
	v36 =	vor.u32 $0x3, v10;
	[tilespmem:v26+s12+$0x0] =	vst.idx.msk $0xffff, v17;
	v49 =	vld.idx.msk [tilespmem:v13+s3+$0x0], $0xffff  }
0xcd: {  	v50 =	vor.u32 $0x3, v15;
	[tilespmem:v1+s12+$0x0] =	vst.idx.msk $0xffff, v30;
	v30 =	vor.u32 $0x3, v9;
	v1 =	vld.idx.msk [tilespmem:v21+s3+$0x0], $0xffff;
	v21 =	vor.u32 $0x4, v14  }
0xce: {  	v51 =	vor.u32 $0x3, v7;
	v52 =	vor.u32 $0x3, v5;
	[tilespmem:v19+s12+$0x0] =	vst.idx.msk $0xffff, v18;
	v19 =	vld.idx.msk [tilespmem:v34+s3+$0x0], $0xffff;
	v34 =	vor.u32 $0x3, v8  }
0xcf: {  	v53 =	vor.u32 $0x3, v3;
	v54 =	vor.u32 $0x3, v4;
	v16 =	vor.u32 $0x3, v6;
	v37 =	vld.idx.msk [tilespmem:v37+s3+$0x0], $0xffff;
	[tilespmem:v27+s12+$0x0] =	vst.idx.msk $0xffff, v2  }
0xd0: {  	v13 =	vor.u32 $0x3, v23;
	v14 =	vor.u32 $0x3, v24;
	v18 =	vor.u32 $0x3, v29;
	v27 =	vld.idx.msk [tilespmem:v32+s3+$0x0], $0xffff;
	[tilespmem:v28+s12+$0x0] =	vst.idx.msk $0xffff, v25  }
0xd1: {  	v17 =	vor.u32 $0x3, v26;
	v25 =	vor.u32 $0x4, v11;
	v11 =	vor.u32 $0x4, v10;
	v28 =	vld.idx.msk [tilespmem:v39+s3+$0x0], $0xffff;
	[tilespmem:v12+s12+$0x0] =	vst.idx.msk $0xffff, v33  }
0xd2: {  	v10 =	vor.u32 $0x4, v15;
	v12 =	vor.u32 $0x4, v9;
	v9 =	vor.u32 $0x4, v7;
	v31 =	vld.idx.msk [tilespmem:v31+s3+$0x0], $0xffff;
	[tilespmem:v21+s12+$0x0] =	vst.idx.msk $0xffff, v49  }
0xd3: {  	v15 =	vor.u32 $0x4, v3;
	v7 =	vor.u32 $0x4, v5;
	v5 =	vor.u32 $0x4, v8;
	v21 =	vld.idx.msk [tilespmem:v20+s3+$0x0], $0xffff;
	[tilespmem:v35+s12+$0x0] =	vst.idx.msk $0xffff, v1  }
0xd4: {  	v6 =	vor.u32 $0x4, v6;
	v3 =	vor.u32 $0x4, v29;
	v8 =	vor.u32 $0x4, v4;
	v29 =	vld.idx.msk [tilespmem:v40+s3+$0x0], $0xffff;
	[tilespmem:v38+s12+$0x0] =	vst.idx.msk $0xffff, v19  }
0xd5: {  	v2 =	vor.u32 $0x4, v24;
	v4 =	vor.u32 $0x4, v23;
	v1 =	vor.u32 $0x4, v26;
	[tilespmem:v42+s12+$0x0] =	vst.idx.msk $0xffff, v37;
	v23 =	vld.idx.msk [tilespmem:v41+s3+$0x0], $0xffff  }
0xd6: {  	v24 =	vld.idx.msk [tilespmem:v22+s3+$0x0], $0xffff;
	[tilespmem:v43+s12+$0x0] =	vst.idx.msk $0xffff, v27  }
0xd7: {  	v26 =	vld.idx.msk [tilespmem:v36+s3+$0x0], $0xffff;
	[tilespmem:v44+s12+$0x0] =	vst.idx.msk $0xffff, v28  }
0xd8: {  	v19 =	vld.idx.msk [tilespmem:v30+s3+$0x0], $0xffff;
	[tilespmem:v45+s12+$0x0] =	vst.idx.msk $0xffff, v31  }
.Ltmp1:
0xd9: {  	v20 =	vld.idx.msk [tilespmem:v50+s3+$0x0], $0xffff;
	[tilespmem:v46+s12+$0x0] =	vst.idx.msk $0xffff, v21;
	(pc) =	sbr.rel @p0 .LBB2_4-.Ltmp1, $4  }
0xda: {  	v21 =	vld.idx.msk [tilespmem:v51+s3+$0x0], $0xffff;
	[tilespmem:v47+s12+$0x0] =	vst.idx.msk $0xffff, v29  }
0xdb: {  	v22 =	vld.idx.msk [tilespmem:v52+s3+$0x0], $0xffff;
	[tilespmem:v48+s12+$0x0] =	vst.idx.msk $0xffff, v23  }
0xdc: {  	[tilespmem:v53+s12+$0x0] =	vst.idx.msk $0xffff, v24;
	v23 =	vld.idx.msk [tilespmem:v34+s3+$0x0], $0xffff  }
0xdd: {  	s18 =	sadd.s32 $0x80, s18;
	v24 =	vld.idx.msk [tilespmem:v25+s3+$0x0], $0xffff;
	[tilespmem:v54+s12+$0x0] =	vst.idx.msk $0xffff, v26  }
0xde: {  	_ =	sdelay $0x3  }
0xdf: {  	[tilespmem:v16+s12+$0x0] =	vst.idx.msk $0xffff, v19  }
0xe0: {  	[tilespmem:v18+s12+$0x0] =	vst.idx.msk $0xffff, v20;
	v11 =	vld.idx.msk [tilespmem:v11+s3+$0x0], $0xffff  }
0xe1: {  	[tilespmem:v13+s12+$0x0] =	vst.idx.msk $0xffff, v21;
	v12 =	vld.idx.msk [tilespmem:v12+s3+$0x0], $0xffff  }
0xe2: {  	v10 =	vld.idx.msk [tilespmem:v10+s3+$0x0], $0xffff;
	[tilespmem:v14+s12+$0x0] =	vst.idx.msk $0xffff, v22  }
0xe3: {  	v9 =	vld.idx.msk [tilespmem:v9+s3+$0x0], $0xffff;
	[tilespmem:v17+s12+$0x0] =	vst.idx.msk $0xffff, v23  }
0xe4: {  	v7 =	vld.idx.msk [tilespmem:v7+s3+$0x0], $0xffff;
	[tilespmem:v15+s12+$0x0] =	vst.idx.msk $0xffff, v24  }
0xe5: {  	v5 =	vld.idx.msk [tilespmem:v5+s3+$0x0], $0xffff;
	[tilespmem:v8+s12+$0x0] =	vst.idx.msk $0xffff, v11  }
0xe6: {  	[tilespmem:v6+s12+$0x0] =	vst.idx.msk $0xffff, v12  }
0xe7: {  	[tilespmem:v3+s12+$0x0] =	vst.idx.msk $0xffff, v10  }
0xe8: {  	[tilespmem:v4+s12+$0x0] =	vst.idx.msk $0xffff, v9  }
0xe9: {  	[tilespmem:v2+s12+$0x0] =	vst.idx.msk $0xffff, v7  }
0xea: {  	s14 =	sadd.s32 $0x1, s14;
	[tilespmem:v1+s12+$0x0] =	vst.idx.msk $0xffff, v5  }
0xeb: {  	[hbm4b:s7+s3] =	stream.linear.scatter [tilespmem:s13], [sflag:$0x1], $0x8000, $0x38;
	[tilespmem:$0x10800] =	vst v63  }
0xec: {  	p0 =	sne.s32 s14, s8;
	_ =	swait.ge [sflag:s11], $0x8000  }
.Ltmp2:
0xed: {  	[sflag:s11] =	ssyncset.done $0x0;
	(pc) =	sbr.rel @p0 .LBB2_1-.Ltmp2, $4  }
0xee: {  	[sflag:s11] =	ssyncadd.s32 $0xFFFF8000  }
0xef: {  	_ =	swait.ge [sflag:s11], $0x8000  }
0xf0: {  	[sflag:s11] =	ssyncset.done $0x0  }
0xf1: {  	[sflag:s11] =	ssyncadd.s32 $0xFFFF8000  }
0xf2: {  	_ =	sfence.sel $0x180000  }
0xf3: {  	[bflag:$0x0] =	sbarrier.arrive $0xFFFF  }
0xf4: {  	p0 =	sne.s32 s1, $0x0;
	_ =	strace $0x90000047  }
0xf5: {  	s0 =	sadd.s32 @!p0 $0x100000, s0;
	[bflag:$0x2] =	sbarrier.arrive $0xFFFF  }
0xf6: {  	[sflag:s0] =	ssyncadd.tile.s32 @!p0 $0x1;
	_ =	shalt  }
.Lfunc_end2:
_tile_overlayer_lowered:
.L_overlay_start_2:
0xf7: {  	(tag) =	ssettag $0x2  }
0xf8: {  	s0 =	rddreg [dreg:$0x0];
	s2 =	stileid.u32  }
0xf9: {  	s1 =	rddreg [dreg:$0x1];
	p0 =	sne.s32 s2, $0x0  }
0xfa: {  	s3 =	rddreg [dreg:$0x2];
	[bflag:$0x3] =	sbarrier.arrive $0xFFFF;
	s2 =	simm.s32 @!p0 $0x1C02  }
0xfb: {  	[timem:s3], [sflag:s2] =	dma.local @!p0 [hbm:s0], s1  }
0xfc: {  	s0 =	simm.s32 @!p0 $0x2  }
0xfd: {  	_ =	swait.ge @!p0 [sflag:s0], s1  }
0xfe: {  	s1 =	ssub.s32 @!p0 $0x0, s1;
	[sflag:s0] =	ssyncset.done @!p0 $0x0  }
0xff: {  	[sflag:s0] =	ssyncadd.s32 @!p0 s1  }
0x100: {  	[bflag:$0x3] =	sbarrier.arrive $0xFFFF  }
0x101: {  	_ =	shalt  }

</sc_bundles>
